<compile_context>
chip_gen: v7x
topology: tpu7x:2x2x1
jax: 0.10.2.dev20260603
libtpu: 0.0.44.dev20260713+nightly
codegen_flags: <defaults>
</compile_context>

<pallas_src>
import functools

import jax
import jax.numpy as jnp
from jax import lax
from jax.experimental import pallas as pl
from jax.experimental.pallas import tpu as pltpu
from jax.experimental.pallas import tpu_sc as plsc

N = 10000
K = 16
M = N * K
TN = 200
TM = TN * K
GRID = M // TM
CNT = float(M)
EPS = 1e-5

_SC_CHUNK = 200


def _sc_gather(nf_t, idx1, idx0):
    info = plsc.get_sparse_core_info()
    nc, ns = info.num_cores, info.num_subcores
    nw = nc * ns
    per_w = M // nw
    n_it = per_w // _SC_CHUNK
    mesh = plsc.VectorSubcoreMesh(core_axis_name="c", subcore_axis_name="s")

    @functools.partial(
        pl.kernel,
        mesh=mesh,
        out_type=(
            jax.ShapeDtypeStruct((M, 128), jnp.float32),
            jax.ShapeDtypeStruct((M, 128), jnp.float32),
        ),
        scratch_types=[
            pltpu.VMEM((_SC_CHUNK,), jnp.int32),
            pltpu.VMEM((_SC_CHUNK, 128), jnp.float32),
            pltpu.VMEM((_SC_CHUNK,), jnp.int32),
            pltpu.VMEM((_SC_CHUNK, 128), jnp.float32),
            pltpu.SemaphoreType.DMA,
            pltpu.SemaphoreType.DMA,
        ],
    )
    def k(nf_hbm, i1_hbm, i0_hbm, hi_hbm, hj_hbm,
          idx_a, rows_a, idx_b, rows_b, sem_a, sem_b):
        wid = lax.axis_index("s") * nc + lax.axis_index("c")
        base0 = wid * per_w

        def body(c, _):
            base = base0 + c * _SC_CHUNK
            pltpu.sync_copy(i1_hbm.at[pl.ds(base, _SC_CHUNK)], idx_a)
            cp_a = pltpu.async_copy(nf_hbm.at[idx_a], rows_a, sem_a)
            pltpu.sync_copy(i0_hbm.at[pl.ds(base, _SC_CHUNK)], idx_b)
            cp_b = pltpu.async_copy(nf_hbm.at[idx_b], rows_b, sem_b)
            cp_a.wait()
            pltpu.sync_copy(rows_a, hi_hbm.at[pl.ds(base, _SC_CHUNK)])
            cp_b.wait()
            pltpu.sync_copy(rows_b, hj_hbm.at[pl.ds(base, _SC_CHUNK)])
            return ()

        lax.fori_loop(0, n_it, body, (), unroll=False)

    return k(nf_t, idx1, idx0)


def _bn_affine(sq, g, be):
    mean = sq[0:1, :] / CNT
    var = sq[1:2, :] / CNT - mean * mean
    a = g * lax.rsqrt(var + EPS)
    c = be - mean * a
    return a, c


def _acc_stats(i, y, acc_s, acc_q, sq_ref):
    s = jnp.sum(y, axis=0, keepdims=True)
    q = jnp.sum(y * y, axis=0, keepdims=True)

    @pl.when(i == 0)
    def _():
        acc_s[...] = jnp.zeros_like(acc_s)
        acc_q[...] = jnp.zeros_like(acc_q)

    acc_s[...] += s
    acc_q[...] += q

    @pl.when(i == GRID - 1)
    def _():
        sq_ref[0:1, :] = acc_s[...]
        sq_ref[1:2, :] = acc_q[...]


_TDIMS = (((1,), (1,)), ((), ()))


def _stage1_body(e_ref, hi_ref, hj_ref, w1i, w1j, w1e,
                 y1_ref, sq_ref, acc_s, acc_q):
    i = pl.program_id(0)
    y = lax.dot_general(e_ref[...], w1e[...], (((0,), (0,)), ((), ())),
                        preferred_element_type=jnp.float32)
    y += jnp.dot(hi_ref[...], w1i[...], preferred_element_type=jnp.float32)
    y += jnp.dot(hj_ref[...], w1j[...], preferred_element_type=jnp.float32)
    y1_ref[...] = y
    _acc_stats(i, y, acc_s, acc_q, sq_ref)


def _stage2_body(y1_ref, sq1_ref, g1, be1, w2,
                 y2_ref, sq_ref, acc_s, acc_q):
    i = pl.program_id(0)
    a, c = _bn_affine(sq1_ref[...], g1[...], be1[...])
    e1 = jnp.maximum(y1_ref[...] * a + c, 0.0)
    y = jnp.dot(e1, w2[...], preferred_element_type=jnp.float32)
    y2_ref[...] = y
    _acc_stats(i, y, acc_s, acc_q, sq_ref)


def _edge_y3(hi_ref, w3h, mm):
    y = jnp.dot(hi_ref[...], w3h[...], preferred_element_type=jnp.float32)
    return y + jnp.broadcast_to(mm[:, None, :], (TN, K, 256)).reshape(TM, 256)


def _stage3_body(y2_ref, sq2_ref, g2, be2, hi_ref, w3h, w3m, eye,
                 e2t_ref, mm_ref, sq_ref, acc_s, acc_q):
    i = pl.program_id(0)
    a, c = _bn_affine(sq2_ref[...], g2[...], be2[...])
    e2 = jnp.maximum(y2_ref[...] * a + c, 0.0)
    e2t_ref[...] = lax.dot_general(eye[...], e2, _TDIMS,
                                   preferred_element_type=jnp.float32)
    m = jnp.sum(e2.reshape(TN, K, 128), axis=1)
    mm = jnp.dot(m, w3m[...], preferred_element_type=jnp.float32)
    mm_ref[...] = mm
    y = _edge_y3(hi_ref, w3h, mm)
    _acc_stats(i, y, acc_s, acc_q, sq_ref)


def _stage4_body(mm_ref, sq3_ref, g3, be3, hi_ref, w3h, w4,
                 y4k0_ref, sq_ref, acc_s, acc_q):
    i = pl.program_id(0)
    a, c = _bn_affine(sq3_ref[...], g3[...], be3[...])
    y3 = _edge_y3(hi_ref, w3h, mm_ref[...])
    n1 = jnp.maximum(y3 * a + c, 0.0)
    y = jnp.dot(n1, w4[...], preferred_element_type=jnp.float32)
    y4k0_ref[...] = y.reshape(TN, K, 128)[:, 0:1, :].reshape(TN, 128)
    _acc_stats(i, y, acc_s, acc_q, sq_ref)


def _stage5_body(y4_ref, sq4_ref, g4, be4, eye, out_ref):
    a, c = _bn_affine(sq4_ref[...], g4[...], be4[...])
    h = jnp.maximum(y4_ref[...] * a + c, 0.0)
    out_ref[...] = lax.dot_general(eye[...], h, _TDIMS,
                                   preferred_element_type=jnp.float32)


def _row_spec(ch):
    return pl.BlockSpec((TM, ch), lambda i: (i, 0))


def _whole(shape):
    return pl.BlockSpec(shape, lambda i: tuple(0 for _ in shape))


def _sq_shape(ch):
    return jax.ShapeDtypeStruct((2, ch), jnp.float32)


def _scratch(ch):
    return [pltpu.VMEM((1, ch), jnp.float32),
            pltpu.VMEM((1, ch), jnp.float32)]


def _tc_chain(e_t, hi, hj, w1i, w1j, w1e, g1, be1, w2, g2, be2,
              w3h, w3m, g3, be3, w4, g4, be4, eye):

    y1, sq1 = pl.pallas_call(
        _stage1_body,
        grid=(GRID,),
        in_specs=[pl.BlockSpec((16, TM), lambda i: (0, i)),
                  _row_spec(128), _row_spec(128),
                  _whole((128, 256)), _whole((128, 256)), _whole((16, 256))],
        out_specs=[_row_spec(256), _whole((2, 256))],
        out_shape=[jax.ShapeDtypeStruct((M, 256), jnp.float32), _sq_shape(256)],
        scratch_shapes=_scratch(256),
    )(e_t, hi, hj, w1i, w1j, w1e)

    y2, sq2 = pl.pallas_call(
        _stage2_body,
        grid=(GRID,),
        in_specs=[_row_spec(256), _whole((2, 256)),
                  _whole((1, 256)), _whole((1, 256)), _whole((256, 128))],
        out_specs=[_row_spec(128), _whole((2, 128))],
        out_shape=[jax.ShapeDtypeStruct((M, 128), jnp.float32), _sq_shape(128)],
        scratch_shapes=_scratch(128),
    )(y1, sq1, g1, be1, w2)

    e2t, mm, sq3 = pl.pallas_call(
        _stage3_body,
        grid=(GRID,),
        in_specs=[_row_spec(128), _whole((2, 128)),
                  _whole((1, 128)), _whole((1, 128)), _row_spec(128),
                  _whole((128, 256)), _whole((128, 256)), _whole((128, 128))],
        out_specs=[pl.BlockSpec((128, TM), lambda i: (0, i)),
                   pl.BlockSpec((TN, 256), lambda i: (i, 0)),
                   _whole((2, 256))],
        out_shape=[jax.ShapeDtypeStruct((128, M), jnp.float32),
                   jax.ShapeDtypeStruct((N, 256), jnp.float32), _sq_shape(256)],
        scratch_shapes=_scratch(256),
    )(y2, sq2, g2, be2, hi, w3h, w3m, eye)

    y4k0, sq4 = pl.pallas_call(
        _stage4_body,
        grid=(GRID,),
        in_specs=[pl.BlockSpec((TN, 256), lambda i: (i, 0)), _whole((2, 256)),
                  _whole((1, 256)), _whole((1, 256)), _row_spec(128),
                  _whole((128, 256)), _whole((256, 128))],
        out_specs=[pl.BlockSpec((TN, 128), lambda i: (i, 0)),
                   _whole((2, 128))],
        out_shape=[jax.ShapeDtypeStruct((N, 128), jnp.float32), _sq_shape(128)],
        scratch_shapes=_scratch(128),
    )(mm, sq3, g3, be3, hi, w3h, w4)

    h_out_t = pl.pallas_call(
        _stage5_body,
        in_specs=[pl.BlockSpec((N, 128), lambda: (0, 0)),
                  pl.BlockSpec((2, 128), lambda: (0, 0)),
                  pl.BlockSpec((1, 128), lambda: (0, 0)),
                  pl.BlockSpec((1, 128), lambda: (0, 0)),
                  pl.BlockSpec((128, 128), lambda: (0, 0))],
        out_specs=pl.BlockSpec((128, N), lambda: (0, 0)),
        out_shape=jax.ShapeDtypeStruct((128, N), jnp.float32),
    )(y4k0, sq4, g4, be4, eye)

    return e2t, h_out_t


def kernel(node_features, e_ij, edge_index,
           W1, b1, g1, be1, W2, b2, g2, be2,
           W3, b3, g3, be3, W4, b4, g4, be4):
    del b1, b2, b3, b4
    nf_t = node_features[0, :, :, 0].T
    e_cm = e_ij[0].reshape(16, M)
    idx1 = edge_index[1, 0].reshape(M)
    idx0 = edge_index[0, 0].reshape(M)

    hi, hj = _sc_gather(nf_t, idx1, idx0)

    w1e = W1[:, :16].T
    w1i = W1[:, 16:144].T
    w1j = W1[:, 144:].T
    w3h = W3[:, :128].T
    w3m = W3[:, 128:].T
    eye = jnp.eye(128, dtype=jnp.float32)
    r = lambda v: v.reshape(1, -1)

    e2t, h_out_t = _tc_chain(
        e_cm, hi, hj, w1i, w1j, w1e, r(g1), r(be1), W2.T,
        r(g2), r(be2), w3h, w3m, r(g3), r(be3), W4.T,
        r(g4), r(be4), eye)

    e_ij_prima = e2t.reshape(128, N, K)[None]
    h_i_prima = h_out_t[None, :, :, None]
    return (h_i_prima, e_ij_prima, edge_index)

# --- scband reference (transcript-rebuilt; emitter-appended) ---
"""Pipeline reference for scband-message-passing-44332652429893 (READ-ONLY COPY).

The authoritative reference and input builder live on the scoring server;
editing this copy changes nothing except your own understanding.
"""

import jax, jax.numpy as jnp
import numpy as np


def _basic_conv(x, W, b, gamma, beta):
    # 1x1 Conv2d over channel dim + BatchNorm2d (training-mode batch stats) + ReLU
    y = jnp.einsum('oc,bcnk->bonk', W, x) + b[None, :, None, None]
    mean = jnp.mean(y, axis=(0, 2, 3), keepdims=True)
    var = jnp.var(y, axis=(0, 2, 3), keepdims=True)
    y = (y - mean) / jnp.sqrt(var + 1e-5)
    y = y * gamma[None, :, None, None] + beta[None, :, None, None]
    return jax.nn.relu(y)


def _batched_index_select(x, idx):
    # x: [B, C, N, 1], idx: [B, N, k] -> [B, C, N, k]
    xf = x[:, :, :, 0]
    return jax.vmap(lambda xb, ib: xb[:, ib])(xf, idx)


def setup_inputs(seed: int = 0):
    key = jax.random.key(seed)
    ks = jax.random.split(key, 16)
    B, N, k = 1, 10000, 16
    in_node, in_edge, m_ch, out_ch = 128, 16, 256, 128
    node_features = jax.random.normal(ks[0], (B, in_node, N, 1), dtype=jnp.float32)
    e_ij = jax.random.normal(ks[1], (B, in_edge, N, k), dtype=jnp.float32)
    edge_index = jax.random.randint(ks[2], (2, B, N, k), 0, N, dtype=jnp.int32)
    c1_in = in_edge + 2 * in_node
    c3_in = in_node + out_ch
    W1 = jax.random.normal(ks[3], (m_ch, c1_in), dtype=jnp.float32) / np.sqrt(c1_in)
    b1 = jnp.zeros((m_ch,), dtype=jnp.float32)
    g1 = jnp.ones((m_ch,), dtype=jnp.float32)
    be1 = jnp.zeros((m_ch,), dtype=jnp.float32)
    W2 = jax.random.normal(ks[4], (out_ch, m_ch), dtype=jnp.float32) / np.sqrt(m_ch)
    b2 = jnp.zeros((out_ch,), dtype=jnp.float32)
    g2 = jnp.ones((out_ch,), dtype=jnp.float32)
    be2 = jnp.zeros((out_ch,), dtype=jnp.float32)
    W3 = jax.random.normal(ks[5], (m_ch, c3_in), dtype=jnp.float32) / np.sqrt(c3_in)
    b3 = jnp.zeros((m_ch,), dtype=jnp.float32)
    g3 = jnp.ones((m_ch,), dtype=jnp.float32)
    be3 = jnp.zeros((m_ch,), dtype=jnp.float32)
    W4 = jax.random.normal(ks[6], (out_ch, m_ch), dtype=jnp.float32) / np.sqrt(m_ch)
    b4 = jnp.zeros((out_ch,), dtype=jnp.float32)
    g4 = jnp.ones((out_ch,), dtype=jnp.float32)
    be4 = jnp.zeros((out_ch,), dtype=jnp.float32)
    return {"node_features": node_features, "e_ij": e_ij, "edge_index": edge_index,
            "W1": W1, "b1": b1, "g1": g1, "be1": be1,
            "W2": W2, "b2": b2, "g2": g2, "be2": be2,
            "W3": W3, "b3": b3, "g3": g3, "be3": be3,
            "W4": W4, "b4": b4, "g4": g4, "be4": be4}


def reference(node_features, e_ij, edge_index,
              W1, b1, g1, be1, W2, b2, g2, be2,
              W3, b3, g3, be3, W4, b4, g4, be4):
    h_i = _batched_index_select(node_features, edge_index[1])
    h_j = _batched_index_select(node_features, edge_index[0])
    e_in = jnp.concatenate([e_ij, h_i, h_j], axis=1)
    e1 = _basic_conv(e_in, W1, b1, g1, be1)
    e_ij_prima = _basic_conv(e1, W2, b2, g2, be2)
    m = jnp.sum(e_ij_prima, axis=3, keepdims=True)
    m = jnp.broadcast_to(m, (e_ij_prima.shape[0], e_ij_prima.shape[1], e_ij_prima.shape[2], h_i.shape[-1]))
    n_in = jnp.concatenate([h_i, m], axis=1)
    n1 = _basic_conv(n_in, W3, b3, g3, be3)
    h_i_prima = _basic_conv(n1, W4, b4, g4, be4)
    return (h_i_prima[:, :, :, 0][:, :, :, None], e_ij_prima, edge_index)

if __name__ == "__main__":
    import jax
    _d = setup_inputs()
    print(jax.jit(kernel)(*tuple(_d.values())))

</pallas_src>

<mosaic_0001>
#map = affine_map<(d0, d1) -> (0, 0)>
#map1 = affine_map<(d0, d1) -> (0)>
module attributes {stable_mosaic.version = 14 : i64} {
  func.func @k(%arg0: i32, %arg1: i32, %arg2: memref<10000x128xf32, #tpu.memory_space<hbm>>, %arg3: memref<160000xi32, #tpu.memory_space<hbm>>, %arg4: memref<160000xi32, #tpu.memory_space<hbm>>, %arg5: memref<160000x128xf32, #tpu.memory_space<hbm>>, %arg6: memref<160000x128xf32, #tpu.memory_space<hbm>>, %arg7: memref<200xi32, #tpu.memory_space<vmem>>, %arg8: memref<200x128xf32, #tpu.memory_space<vmem>>, %arg9: memref<200xi32, #tpu.memory_space<vmem>>, %arg10: memref<200x128xf32, #tpu.memory_space<vmem>>, %arg11: memref<!tpu.dma_semaphore, #tpu.memory_space<semaphore_mem>>, %arg12: memref<!tpu.dma_semaphore, #tpu.memory_space<semaphore_mem>>) attributes {dimension_semantics = [#tpu.dimension_semantics<core_parallel>, #tpu.dimension_semantics<subcore_parallel>], iteration_bounds = array<i64: 2, 16>, scalar_prefetch = 0 : i64, scratch_operands = 6 : i64, tpu.core_type = #tpu.core_type<sc_vector_subcore>, window_params = [{transform_indices = #map}, {transform_indices = #map1}, {transform_indices = #map1}, {transform_indices = #map}, {transform_indices = #map}]} {
    %mul3A = arith.constant 2 : i32
    %mul3A_0 = arith.muli %arg1, %mul3A : i32
    %add3A = arith.addi %mul3A_0, %arg0 : i32
    %mul3A_1 = arith.constant 5000 : i32
    %mul3A_2 = arith.muli %add3A, %mul3A_1 : i32
    %scan3A = arith.constant 0 : i32
    %scan3A_3 = arith.constant 25 : i32
    %scan3A_4 = arith.addi %scan3A, %scan3A_3 : i32
    %scan3A_5 = arith.constant 1 : i32
    scf.for %scan3A_7 = %scan3A to %scan3A_4 step %scan3A_5  : i32 {
      %mul3A_8 = arith.constant 200 : i32
      %mul3A_9 = arith.muli %scan3A_7, %mul3A_8 : i32
      %add3A_10 = arith.addi %mul3A_2, %mul3A_9 : i32
      "tpu.region"() ({
        %run_scoped3A = tpu.sem_alloc : memref<!tpu.dma_semaphore, #tpu.memory_space<semaphore_mem>>
        %dma_start3A_21 = tpu.memref_slice %arg3[%add3A_10] : memref<160000xi32, #tpu.memory_space<hbm>> -> memref<200xi32, #tpu.memory_space<hbm>>
        %dma_start3A_22 = tpu.memref_slice %arg3[%add3A_10] : memref<160000xi32, #tpu.memory_space<hbm>> -> memref<200xi32, #tpu.memory_space<hbm>>
        tpu.enqueue_dma source(%dma_start3A_22 : memref<200xi32, #tpu.memory_space<hbm>>) target(%arg7 : memref<200xi32, #tpu.memory_space<vmem>>) target_semaphore(%run_scoped3A : memref<!tpu.dma_semaphore, #tpu.memory_space<semaphore_mem>>)
        %dma_wait3A_23 = tpu.memref_slice %arg3[%add3A_10] : memref<160000xi32, #tpu.memory_space<hbm>> -> memref<200xi32, #tpu.memory_space<hbm>>
        %dma_wait3A_24 = tpu.memref_slice %arg3[%add3A_10] : memref<160000xi32, #tpu.memory_space<hbm>> -> memref<200xi32, #tpu.memory_space<hbm>>
        tpu.wait_dma2 semaphore(%run_scoped3A : memref<!tpu.dma_semaphore, #tpu.memory_space<semaphore_mem>>) src(%dma_wait3A_24 : memref<200xi32, #tpu.memory_space<hbm>>) dst(%arg7 : memref<200xi32, #tpu.memory_space<vmem>>)
        tpu.yield
      }) : () -> ()
      %dma_start3A = arith.constant 0 : i32
      %dma_start3A_11 = arith.constant 0 : i32
      %dma_start3A_12 = tpu.memref_slice %arg2[%dma_start3A, %dma_start3A_11] : memref<10000x128xf32, #tpu.memory_space<hbm>> -> memref<10000x128xf32, #tpu.memory_space<hbm>>
      tpu.enqueue_indirect_dma source(%dma_start3A_12 : memref<10000x128xf32, #tpu.memory_space<hbm>>) target(%arg8 : memref<200x128xf32, #tpu.memory_space<vmem>>) offsets(%arg7 : memref<200xi32, #tpu.memory_space<vmem>>) semaphore(%arg11 : memref<!tpu.dma_semaphore, #tpu.memory_space<semaphore_mem>>)
      "tpu.region"() ({
        %run_scoped3A = tpu.sem_alloc : memref<!tpu.dma_semaphore, #tpu.memory_space<semaphore_mem>>
        %dma_start3A_21 = tpu.memref_slice %arg4[%add3A_10] : memref<160000xi32, #tpu.memory_space<hbm>> -> memref<200xi32, #tpu.memory_space<hbm>>
        %dma_start3A_22 = tpu.memref_slice %arg4[%add3A_10] : memref<160000xi32, #tpu.memory_space<hbm>> -> memref<200xi32, #tpu.memory_space<hbm>>
        tpu.enqueue_dma source(%dma_start3A_22 : memref<200xi32, #tpu.memory_space<hbm>>) target(%arg9 : memref<200xi32, #tpu.memory_space<vmem>>) target_semaphore(%run_scoped3A : memref<!tpu.dma_semaphore, #tpu.memory_space<semaphore_mem>>)
        %dma_wait3A_23 = tpu.memref_slice %arg4[%add3A_10] : memref<160000xi32, #tpu.memory_space<hbm>> -> memref<200xi32, #tpu.memory_space<hbm>>
        %dma_wait3A_24 = tpu.memref_slice %arg4[%add3A_10] : memref<160000xi32, #tpu.memory_space<hbm>> -> memref<200xi32, #tpu.memory_space<hbm>>
        tpu.wait_dma2 semaphore(%run_scoped3A : memref<!tpu.dma_semaphore, #tpu.memory_space<semaphore_mem>>) src(%dma_wait3A_24 : memref<200xi32, #tpu.memory_space<hbm>>) dst(%arg9 : memref<200xi32, #tpu.memory_space<vmem>>)
        tpu.yield
      }) : () -> ()
      %dma_start3A_13 = arith.constant 0 : i32
      %dma_start3A_14 = arith.constant 0 : i32
      %dma_start3A_15 = tpu.memref_slice %arg2[%dma_start3A_13, %dma_start3A_14] : memref<10000x128xf32, #tpu.memory_space<hbm>> -> memref<10000x128xf32, #tpu.memory_space<hbm>>
      tpu.enqueue_indirect_dma source(%dma_start3A_15 : memref<10000x128xf32, #tpu.memory_space<hbm>>) target(%arg10 : memref<200x128xf32, #tpu.memory_space<vmem>>) offsets(%arg9 : memref<200xi32, #tpu.memory_space<vmem>>) semaphore(%arg12 : memref<!tpu.dma_semaphore, #tpu.memory_space<semaphore_mem>>)
      %dma_wait3A = arith.constant 0 : i32
      %dma_wait3A_16 = arith.constant 0 : i32
      %dma_wait3A_17 = tpu.memref_slice %arg2[%dma_wait3A, %dma_wait3A_16] : memref<10000x128xf32, #tpu.memory_space<hbm>> -> memref<10000x128xf32, #tpu.memory_space<hbm>>
      tpu.wait_indirect_dma semaphore(%arg11 : memref<!tpu.dma_semaphore, #tpu.memory_space<semaphore_mem>>) src(%dma_wait3A_17 : memref<10000x128xf32, #tpu.memory_space<hbm>>) dst(%arg8 : memref<200x128xf32, #tpu.memory_space<vmem>>)
      "tpu.region"() ({
        %run_scoped3A = tpu.sem_alloc : memref<!tpu.dma_semaphore, #tpu.memory_space<semaphore_mem>>
        %dma_start3A_21 = arith.constant 0 : i32
        %dma_start3A_22 = tpu.memref_slice %arg5[%add3A_10, %dma_start3A_21] : memref<160000x128xf32, #tpu.memory_space<hbm>> -> memref<200x128xf32, #tpu.memory_space<hbm>>
        %dma_start3A_23 = arith.constant 0 : i32
        %dma_start3A_24 = tpu.memref_slice %arg5[%add3A_10, %dma_start3A_23] : memref<160000x128xf32, #tpu.memory_space<hbm>> -> memref<200x128xf32, #tpu.memory_space<hbm>>
        tpu.enqueue_dma source(%arg8 : memref<200x128xf32, #tpu.memory_space<vmem>>) target(%dma_start3A_24 : memref<200x128xf32, #tpu.memory_space<hbm>>) target_semaphore(%run_scoped3A : memref<!tpu.dma_semaphore, #tpu.memory_space<semaphore_mem>>)
        %dma_wait3A_25 = arith.constant 0 : i32
        %dma_wait3A_26 = tpu.memref_slice %arg5[%add3A_10, %dma_wait3A_25] : memref<160000x128xf32, #tpu.memory_space<hbm>> -> memref<200x128xf32, #tpu.memory_space<hbm>>
        %dma_wait3A_27 = arith.constant 0 : i32
        %dma_wait3A_28 = tpu.memref_slice %arg5[%add3A_10, %dma_wait3A_27] : memref<160000x128xf32, #tpu.memory_space<hbm>> -> memref<200x128xf32, #tpu.memory_space<hbm>>
        tpu.wait_dma2 semaphore(%run_scoped3A : memref<!tpu.dma_semaphore, #tpu.memory_space<semaphore_mem>>) src(%arg8 : memref<200x128xf32, #tpu.memory_space<vmem>>) dst(%dma_wait3A_28 : memref<200x128xf32, #tpu.memory_space<hbm>>)
        tpu.yield
      }) : () -> ()
      %dma_wait3A_18 = arith.constant 0 : i32
      %dma_wait3A_19 = arith.constant 0 : i32
      %dma_wait3A_20 = tpu.memref_slice %arg2[%dma_wait3A_18, %dma_wait3A_19] : memref<10000x128xf32, #tpu.memory_space<hbm>> -> memref<10000x128xf32, #tpu.memory_space<hbm>>
      tpu.wait_indirect_dma semaphore(%arg12 : memref<!tpu.dma_semaphore, #tpu.memory_space<semaphore_mem>>) src(%dma_wait3A_20 : memref<10000x128xf32, #tpu.memory_space<hbm>>) dst(%arg10 : memref<200x128xf32, #tpu.memory_space<vmem>>)
      "tpu.region"() ({
        %run_scoped3A = tpu.sem_alloc : memref<!tpu.dma_semaphore, #tpu.memory_space<semaphore_mem>>
        %dma_start3A_21 = arith.constant 0 : i32
        %dma_start3A_22 = tpu.memref_slice %arg6[%add3A_10, %dma_start3A_21] : memref<160000x128xf32, #tpu.memory_space<hbm>> -> memref<200x128xf32, #tpu.memory_space<hbm>>
        %dma_start3A_23 = arith.constant 0 : i32
        %dma_start3A_24 = tpu.memref_slice %arg6[%add3A_10, %dma_start3A_23] : memref<160000x128xf32, #tpu.memory_space<hbm>> -> memref<200x128xf32, #tpu.memory_space<hbm>>
        tpu.enqueue_dma source(%arg10 : memref<200x128xf32, #tpu.memory_space<vmem>>) target(%dma_start3A_24 : memref<200x128xf32, #tpu.memory_space<hbm>>) target_semaphore(%run_scoped3A : memref<!tpu.dma_semaphore, #tpu.memory_space<semaphore_mem>>)
        %dma_wait3A_25 = arith.constant 0 : i32
        %dma_wait3A_26 = tpu.memref_slice %arg6[%add3A_10, %dma_wait3A_25] : memref<160000x128xf32, #tpu.memory_space<hbm>> -> memref<200x128xf32, #tpu.memory_space<hbm>>
        %dma_wait3A_27 = arith.constant 0 : i32
        %dma_wait3A_28 = tpu.memref_slice %arg6[%add3A_10, %dma_wait3A_27] : memref<160000x128xf32, #tpu.memory_space<hbm>> -> memref<200x128xf32, #tpu.memory_space<hbm>>
        tpu.wait_dma2 semaphore(%run_scoped3A : memref<!tpu.dma_semaphore, #tpu.memory_space<semaphore_mem>>) src(%arg10 : memref<200x128xf32, #tpu.memory_space<vmem>>) dst(%dma_wait3A_28 : memref<200x128xf32, #tpu.memory_space<hbm>>)
        tpu.yield
      }) : () -> ()
    }
    %scan3A_6 = arith.constant 25 : i32
    return
  }
}

module attributes {stable_mosaic.version = 14 : i64} {
  func.func @_stage1_body(%arg0: i32, %arg1: memref<16x3200xf32, #tpu.memory_space<vmem>>, %arg2: memref<3200x128xf32, #tpu.memory_space<vmem>>, %arg3: memref<3200x128xf32, #tpu.memory_space<vmem>>, %arg4: memref<128x256xf32, #tpu.memory_space<vmem>>, %arg5: memref<128x256xf32, #tpu.memory_space<vmem>>, %arg6: memref<16x256xf32, #tpu.memory_space<vmem>>, %arg7: memref<3200x256xf32, #tpu.memory_space<vmem>>, %arg8: memref<2x256xf32, #tpu.memory_space<vmem>>, %arg9: memref<1x256xf32, #tpu.memory_space<vmem>>, %arg10: memref<1x256xf32, #tpu.memory_space<vmem>>) attributes {dimension_semantics = [#tpu.dimension_semantics<arbitrary>], iteration_bounds = array<i64: 50>, scalar_prefetch = 0 : i64, scratch_operands = 2 : i64, tpu.core_type = #tpu.core_type<tc>, window_params = [{transform_indices = @transform_0, window_bounds = array<i64: 16, 3200>}, {transform_indices = @transform_1, window_bounds = array<i64: 3200, 128>}, {transform_indices = @transform_2, window_bounds = array<i64: 3200, 128>}, {pipeline_mode = #tpu.pipeline_mode<synchronous>, transform_indices = @transform_3, window_bounds = array<i64: 128, 256>}, {pipeline_mode = #tpu.pipeline_mode<synchronous>, transform_indices = @transform_4, window_bounds = array<i64: 128, 256>}, {pipeline_mode = #tpu.pipeline_mode<synchronous>, transform_indices = @transform_5, window_bounds = array<i64: 16, 256>}, {transform_indices = @transform_6, window_bounds = array<i64: 3200, 256>}, {pipeline_mode = #tpu.pipeline_mode<synchronous>, transform_indices = @transform_7, window_bounds = array<i64: 2, 256>}]} {
    %get3A = arith.constant 0 : index
    %get3A_0 = arith.constant 0 : index
    %get3A_1 = vector.load %arg1[%get3A, %get3A_0] : memref<16x3200xf32, #tpu.memory_space<vmem>>, vector<16x3200xf32>
    %get3A_2 = arith.constant 0 : index
    %get3A_3 = arith.constant 0 : index
    %get3A_4 = vector.load %arg6[%get3A_2, %get3A_3] : memref<16x256xf32, #tpu.memory_space<vmem>>, vector<16x256xf32>
    %dot_general3A = arith.constant dense<0.000000e+00> : vector<3200x256xf32>
    %dot_general3A_5 = tpu.matmul %get3A_1, %get3A_4, %dot_general3A {dimension_numbers = #tpu.dot_dimension_numbers<[0], [0], [1], [1], [0, 1, 1, 1], [], []>, transpose_lhs_hint = false} : vector<16x3200xf32>, vector<16x256xf32>, vector<3200x256xf32> -> vector<3200x256xf32>
    %get3A_6 = arith.constant 0 : index
    %get3A_7 = arith.constant 0 : index
    %get3A_8 = vector.load %arg2[%get3A_6, %get3A_7] : memref<3200x128xf32, #tpu.memory_space<vmem>>, vector<3200x128xf32>
    %get3A_9 = arith.constant 0 : index
    %get3A_10 = arith.constant 0 : index
    %get3A_11 = vector.load %arg4[%get3A_9, %get3A_10] : memref<128x256xf32, #tpu.memory_space<vmem>>, vector<128x256xf32>
    %dot_general3A_12 = arith.constant dense<0.000000e+00> : vector<3200x256xf32>
    %dot_general3A_13 = tpu.matmul %get3A_8, %get3A_11, %dot_general3A_12 {dimension_numbers = #tpu.dot_dimension_numbers<[1], [0], [0], [1], [0, 0, 1, 1], [], []>, transpose_lhs_hint = false} : vector<3200x128xf32>, vector<128x256xf32>, vector<3200x256xf32> -> vector<3200x256xf32>
    %add3A = arith.addf %dot_general3A_5, %dot_general3A_13 : vector<3200x256xf32>
    %get3A_14 = arith.constant 0 : index
    %get3A_15 = arith.constant 0 : index
    %get3A_16 = vector.load %arg3[%get3A_14, %get3A_15] : memref<3200x128xf32, #tpu.memory_space<vmem>>, vector<3200x128xf32>
    %get3A_17 = arith.constant 0 : index
    %get3A_18 = arith.constant 0 : index
    %get3A_19 = vector.load %arg5[%get3A_17, %get3A_18] : memref<128x256xf32, #tpu.memory_space<vmem>>, vector<128x256xf32>
    %dot_general3A_20 = arith.constant dense<0.000000e+00> : vector<3200x256xf32>
    %dot_general3A_21 = tpu.matmul %get3A_16, %get3A_19, %dot_general3A_20 {dimension_numbers = #tpu.dot_dimension_numbers<[1], [0], [0], [1], [0, 0, 1, 1], [], []>, transpose_lhs_hint = false} : vector<3200x128xf32>, vector<128x256xf32>, vector<3200x256xf32> -> vector<3200x256xf32>
    %add3A_22 = arith.addf %add3A, %dot_general3A_21 : vector<3200x256xf32>
    %swap3A = arith.constant 0 : index
    %swap3A_23 = arith.constant 0 : index
    %swap3A_24 = vector.load %arg7[%swap3A, %swap3A_23] : memref<3200x256xf32, #tpu.memory_space<vmem>>, vector<3200x256xf32>
    tpu.vector_store %arg7[%swap3A, %swap3A_23], %add3A_22 {strides = array<i32>} : memref<3200x256xf32, #tpu.memory_space<vmem>>, vector<3200x256xf32>,
    %reduce_sum3A = arith.constant dense<0.000000e+00> : vector<256xf32>
    %reduce_sum3A_25 = vector.multi_reduction <add>, %add3A_22, %reduce_sum3A [0] : vector<3200x256xf32> to vector<256xf32>
    %broadcast_in_dim3A = vector.shape_cast %reduce_sum3A_25 : vector<256xf32> to vector<1x256xf32>
    %mul3A = arith.mulf %add3A_22, %add3A_22 : vector<3200x256xf32>
    %reduce_sum3A_26 = arith.constant dense<0.000000e+00> : vector<256xf32>
    %reduce_sum3A_27 = vector.multi_reduction <add>, %mul3A, %reduce_sum3A_26 [0] : vector<3200x256xf32> to vector<256xf32>
    %broadcast_in_dim3A_28 = vector.shape_cast %reduce_sum3A_27 : vector<256xf32> to vector<1x256xf32>
    %eq3A = arith.constant 0 : i32
    %eq3A_29 = arith.cmpi eq, %arg0, %eq3A : i32
    %convert_element_type3A = arith.extui %eq3A_29 : i1 to i32
    %cond3A = arith.constant 0 : i32
    %cond3A_30 = arith.cmpi ne, %convert_element_type3A, %cond3A : i32
    scf.if %cond3A_30 {
      %broadcast_in_dim3A_50 = arith.constant 0.000000e+00 : f32
      %broadcast_in_dim3A_51 = vector.broadcast %broadcast_in_dim3A_50 : f32 to vector<1x256xf32>
      %swap3A_52 = arith.constant 0 : index
      %swap3A_53 = arith.constant 0 : index
      %swap3A_54 = vector.load %arg9[%swap3A_52, %swap3A_53] : memref<1x256xf32, #tpu.memory_space<vmem>>, vector<1x256xf32>
      tpu.vector_store %arg9[%swap3A_52, %swap3A_53], %broadcast_in_dim3A_51 {strides = array<i32>} : memref<1x256xf32, #tpu.memory_space<vmem>>, vector<1x256xf32>,
      %broadcast_in_dim3A_55 = arith.constant 0.000000e+00 : f32
      %broadcast_in_dim3A_56 = vector.broadcast %broadcast_in_dim3A_55 : f32 to vector<1x256xf32>
      %swap3A_57 = arith.constant 0 : index
      %swap3A_58 = arith.constant 0 : index
      %swap3A_59 = vector.load %arg10[%swap3A_57, %swap3A_58] : memref<1x256xf32, #tpu.memory_space<vmem>>, vector<1x256xf32>
      tpu.vector_store %arg10[%swap3A_57, %swap3A_58], %broadcast_in_dim3A_56 {strides = array<i32>} : memref<1x256xf32, #tpu.memory_space<vmem>>, vector<1x256xf32>,
    } else {
    }
    %get3A_31 = arith.constant 0 : index
    %get3A_32 = arith.constant 0 : index
    %get3A_33 = vector.load %arg9[%get3A_31, %get3A_32] : memref<1x256xf32, #tpu.memory_space<vmem>>, vector<1x256xf32>
    %add3A_34 = arith.addf %get3A_33, %broadcast_in_dim3A : vector<1x256xf32>
    %swap3A_35 = arith.constant 0 : index
    %swap3A_36 = arith.constant 0 : index
    %swap3A_37 = vector.load %arg9[%swap3A_35, %swap3A_36] : memref<1x256xf32, #tpu.memory_space<vmem>>, vector<1x256xf32>
    tpu.vector_store %arg9[%swap3A_35, %swap3A_36], %add3A_34 {strides = array<i32>} : memref<1x256xf32, #tpu.memory_space<vmem>>, vector<1x256xf32>,
    %get3A_38 = arith.constant 0 : index
    %get3A_39 = arith.constant 0 : index
    %get3A_40 = vector.load %arg10[%get3A_38, %get3A_39] : memref<1x256xf32, #tpu.memory_space<vmem>>, vector<1x256xf32>
    %add3A_41 = arith.addf %get3A_40, %broadcast_in_dim3A_28 : vector<1x256xf32>
    %swap3A_42 = arith.constant 0 : index
    %swap3A_43 = arith.constant 0 : index
    %swap3A_44 = vector.load %arg10[%swap3A_42, %swap3A_43] : memref<1x256xf32, #tpu.memory_space<vmem>>, vector<1x256xf32>
    tpu.vector_store %arg10[%swap3A_42, %swap3A_43], %add3A_41 {strides = array<i32>} : memref<1x256xf32, #tpu.memory_space<vmem>>, vector<1x256xf32>,
    %eq3A_45 = arith.constant 49 : i32
    %eq3A_46 = arith.cmpi eq, %arg0, %eq3A_45 : i32
    %convert_element_type3A_47 = arith.extui %eq3A_46 : i1 to i32
    %cond3A_48 = arith.constant 0 : i32
    %cond3A_49 = arith.cmpi ne, %convert_element_type3A_47, %cond3A_48 : i32
    scf.if %cond3A_49 {
      %get3A_50 = arith.constant 0 : index
      %get3A_51 = arith.constant 0 : index
      %get3A_52 = vector.load %arg9[%get3A_50, %get3A_51] : memref<1x256xf32, #tpu.memory_space<vmem>>, vector<1x256xf32>
      %swap3A_53 = arith.constant 0 : index
      %swap3A_54 = arith.constant 0 : index
      %swap3A_55 = vector.load %arg8[%swap3A_53, %swap3A_54] : memref<2x256xf32, #tpu.memory_space<vmem>>, vector<1x256xf32>
      tpu.vector_store %arg8[%swap3A_53, %swap3A_54], %get3A_52 {strides = array<i32>} : memref<2x256xf32, #tpu.memory_space<vmem>>, vector<1x256xf32>,
      %get3A_56 = arith.constant 0 : index
      %get3A_57 = arith.constant 0 : index
      %get3A_58 = vector.load %arg10[%get3A_56, %get3A_57] : memref<1x256xf32, #tpu.memory_space<vmem>>, vector<1x256xf32>
      %swap3A_59 = arith.constant 1 : index
      %swap3A_60 = arith.constant 0 : index
      %swap3A_61 = vector.load %arg8[%swap3A_59, %swap3A_60] : memref<2x256xf32, #tpu.memory_space<vmem>>, vector<1x256xf32>
      tpu.vector_store %arg8[%swap3A_59, %swap3A_60], %get3A_58 {strides = array<i32>} : memref<2x256xf32, #tpu.memory_space<vmem>>, vector<1x256xf32>,
    } else {
    }
    return
  }
  func.func @transform_0(%arg0: i32) -> (i32, i32) {
    %c0_i32 = arith.constant 0 : i32
    %c0_i32_0 = arith.constant 0 : i32
    return %c0_i32, %arg0 : i32, i32
  }
  func.func @transform_1(%arg0: i32) -> (i32, i32) {
    %c0_i32 = arith.constant 0 : i32
    %c0_i32_0 = arith.constant 0 : i32
    return %arg0, %c0_i32 : i32, i32
  }
  func.func @transform_2(%arg0: i32) -> (i32, i32) {
    %c0_i32 = arith.constant 0 : i32
    %c0_i32_0 = arith.constant 0 : i32
    return %arg0, %c0_i32 : i32, i32
  }
  func.func @transform_3(%arg0: i32) -> (i32, i32) {
    %c0_i32 = arith.constant 0 : i32
    %c0_i32_0 = arith.constant 0 : i32
    %c0_i32_1 = arith.constant 0 : i32
    return %c0_i32, %c0_i32_0 : i32, i32
  }
  func.func @transform_4(%arg0: i32) -> (i32, i32) {
    %c0_i32 = arith.constant 0 : i32
    %c0_i32_0 = arith.constant 0 : i32
    %c0_i32_1 = arith.constant 0 : i32
    return %c0_i32, %c0_i32_0 : i32, i32
  }
  func.func @transform_5(%arg0: i32) -> (i32, i32) {
    %c0_i32 = arith.constant 0 : i32
    %c0_i32_0 = arith.constant 0 : i32
    %c0_i32_1 = arith.constant 0 : i32
    return %c0_i32, %c0_i32_0 : i32, i32
  }
  func.func @transform_6(%arg0: i32) -> (i32, i32) {
    %c0_i32 = arith.constant 0 : i32
    %c0_i32_0 = arith.constant 0 : i32
    return %arg0, %c0_i32 : i32, i32
  }
  func.func @transform_7(%arg0: i32) -> (i32, i32) {
    %c0_i32 = arith.constant 0 : i32
    %c0_i32_0 = arith.constant 0 : i32
    %c0_i32_1 = arith.constant 0 : i32
    return %c0_i32, %c0_i32_0 : i32, i32
  }
}

module attributes {stable_mosaic.version = 14 : i64} {
  func.func @_stage2_body(%arg0: i32, %arg1: memref<3200x256xf32, #tpu.memory_space<vmem>>, %arg2: memref<2x256xf32, #tpu.memory_space<vmem>>, %arg3: memref<1x256xf32, #tpu.memory_space<vmem>>, %arg4: memref<1x256xf32, #tpu.memory_space<vmem>>, %arg5: memref<256x128xf32, #tpu.memory_space<vmem>>, %arg6: memref<3200x128xf32, #tpu.memory_space<vmem>>, %arg7: memref<2x128xf32, #tpu.memory_space<vmem>>, %arg8: memref<1x128xf32, #tpu.memory_space<vmem>>, %arg9: memref<1x128xf32, #tpu.memory_space<vmem>>) attributes {dimension_semantics = [#tpu.dimension_semantics<arbitrary>], iteration_bounds = array<i64: 50>, scalar_prefetch = 0 : i64, scratch_operands = 2 : i64, tpu.core_type = #tpu.core_type<tc>, window_params = [{transform_indices = @transform_0, window_bounds = array<i64: 3200, 256>}, {pipeline_mode = #tpu.pipeline_mode<synchronous>, transform_indices = @transform_1, window_bounds = array<i64: 2, 256>}, {pipeline_mode = #tpu.pipeline_mode<synchronous>, transform_indices = @transform_2, window_bounds = array<i64: 1, 256>}, {pipeline_mode = #tpu.pipeline_mode<synchronous>, transform_indices = @transform_3, window_bounds = array<i64: 1, 256>}, {pipeline_mode = #tpu.pipeline_mode<synchronous>, transform_indices = @transform_4, window_bounds = array<i64: 256, 128>}, {transform_indices = @transform_5, window_bounds = array<i64: 3200, 128>}, {pipeline_mode = #tpu.pipeline_mode<synchronous>, transform_indices = @transform_6, window_bounds = array<i64: 2, 128>}]} {
    %get3A = arith.constant 0 : index
    %get3A_0 = arith.constant 0 : index
    %get3A_1 = vector.load %arg2[%get3A, %get3A_0] : memref<2x256xf32, #tpu.memory_space<vmem>>, vector<2x256xf32>
    %get3A_2 = arith.constant 0 : index
    %get3A_3 = arith.constant 0 : index
    %get3A_4 = vector.load %arg3[%get3A_2, %get3A_3] : memref<1x256xf32, #tpu.memory_space<vmem>>, vector<1x256xf32>
    %get3A_5 = arith.constant 0 : index
    %get3A_6 = arith.constant 0 : index
    %get3A_7 = vector.load %arg4[%get3A_5, %get3A_6] : memref<1x256xf32, #tpu.memory_space<vmem>>, vector<1x256xf32>
    %slice3A = vector.extract_strided_slice %get3A_1 {offsets = [0, 0], sizes = [1, 256], strides = [1, 1]} : vector<2x256xf32> to vector<1x256xf32>
    %div3A = arith.constant 1.600000e+05 : f32
    %div3A_8 = vector.broadcast %div3A : f32 to vector<1x256xf32>
    %div3A_9 = arith.divf %slice3A, %div3A_8 : vector<1x256xf32>
    %slice3A_10 = vector.extract_strided_slice %get3A_1 {offsets = [1, 0], sizes = [1, 256], strides = [1, 1]} : vector<2x256xf32> to vector<1x256xf32>
    %div3A_11 = arith.constant 1.600000e+05 : f32
    %div3A_12 = vector.broadcast %div3A_11 : f32 to vector<1x256xf32>
    %div3A_13 = arith.divf %slice3A_10, %div3A_12 : vector<1x256xf32>
    %mul3A = arith.mulf %div3A_9, %div3A_9 : vector<1x256xf32>
    %sub3A = arith.subf %div3A_13, %mul3A : vector<1x256xf32>
    %add3A = arith.constant 9.99999974E-6 : f32
    %add3A_14 = vector.broadcast %add3A : f32 to vector<1x256xf32>
    %add3A_15 = arith.addf %sub3A, %add3A_14 : vector<1x256xf32>
    %rsqrt3A = math.rsqrt %add3A_15 : vector<1x256xf32>
    %mul3A_16 = arith.mulf %get3A_4, %rsqrt3A : vector<1x256xf32>
    %mul3A_17 = arith.mulf %div3A_9, %mul3A_16 : vector<1x256xf32>
    %sub3A_18 = arith.subf %get3A_7, %mul3A_17 : vector<1x256xf32>
    %get3A_19 = arith.constant 0 : index
    %get3A_20 = arith.constant 0 : index
    %get3A_21 = vector.load %arg1[%get3A_19, %get3A_20] : memref<3200x256xf32, #tpu.memory_space<vmem>>, vector<3200x256xf32>
    %mul3A_22 = vector.broadcast %mul3A_16 : vector<1x256xf32> to vector<3200x256xf32>
    %mul3A_23 = arith.mulf %get3A_21, %mul3A_22 : vector<3200x256xf32>
    %add3A_24 = vector.broadcast %sub3A_18 : vector<1x256xf32> to vector<3200x256xf32>
    %add3A_25 = arith.addf %mul3A_23, %add3A_24 : vector<3200x256xf32>
    %max3A = arith.constant 0.000000e+00 : f32
    %max3A_26 = vector.broadcast %max3A : f32 to vector<3200x256xf32>
    %max3A_27 = arith.maximumf %add3A_25, %max3A_26 : vector<3200x256xf32>
    %get3A_28 = arith.constant 0 : index
    %get3A_29 = arith.constant 0 : index
    %get3A_30 = vector.load %arg5[%get3A_28, %get3A_29] : memref<256x128xf32, #tpu.memory_space<vmem>>, vector<256x128xf32>
    %dot_general3A = arith.constant dense<0.000000e+00> : vector<3200x128xf32>
    %dot_general3A_31 = tpu.matmul %max3A_27, %get3A_30, %dot_general3A {dimension_numbers = #tpu.dot_dimension_numbers<[1], [0], [0], [1], [0, 0, 1, 1], [], []>, transpose_lhs_hint = false} : vector<3200x256xf32>, vector<256x128xf32>, vector<3200x128xf32> -> vector<3200x128xf32>
    %swap3A = arith.constant 0 : index
    %swap3A_32 = arith.constant 0 : index
    %swap3A_33 = vector.load %arg6[%swap3A, %swap3A_32] : memref<3200x128xf32, #tpu.memory_space<vmem>>, vector<3200x128xf32>
    tpu.vector_store %arg6[%swap3A, %swap3A_32], %dot_general3A_31 {strides = array<i32>} : memref<3200x128xf32, #tpu.memory_space<vmem>>, vector<3200x128xf32>,
    %reduce_sum3A = arith.constant dense<0.000000e+00> : vector<128xf32>
    %reduce_sum3A_34 = vector.multi_reduction <add>, %dot_general3A_31, %reduce_sum3A [0] : vector<3200x128xf32> to vector<128xf32>
    %broadcast_in_dim3A = vector.shape_cast %reduce_sum3A_34 : vector<128xf32> to vector<1x128xf32>
    %mul3A_35 = arith.mulf %dot_general3A_31, %dot_general3A_31 : vector<3200x128xf32>
    %reduce_sum3A_36 = arith.constant dense<0.000000e+00> : vector<128xf32>
    %reduce_sum3A_37 = vector.multi_reduction <add>, %mul3A_35, %reduce_sum3A_36 [0] : vector<3200x128xf32> to vector<128xf32>
    %broadcast_in_dim3A_38 = vector.shape_cast %reduce_sum3A_37 : vector<128xf32> to vector<1x128xf32>
    %eq3A = arith.constant 0 : i32
    %eq3A_39 = arith.cmpi eq, %arg0, %eq3A : i32
    %convert_element_type3A = arith.extui %eq3A_39 : i1 to i32
    %cond3A = arith.constant 0 : i32
    %cond3A_40 = arith.cmpi ne, %convert_element_type3A, %cond3A : i32
    scf.if %cond3A_40 {
      %broadcast_in_dim3A_60 = arith.constant 0.000000e+00 : f32
      %broadcast_in_dim3A_61 = vector.broadcast %broadcast_in_dim3A_60 : f32 to vector<1x128xf32>
      %swap3A_62 = arith.constant 0 : index
      %swap3A_63 = arith.constant 0 : index
      %swap3A_64 = vector.load %arg8[%swap3A_62, %swap3A_63] : memref<1x128xf32, #tpu.memory_space<vmem>>, vector<1x128xf32>
      tpu.vector_store %arg8[%swap3A_62, %swap3A_63], %broadcast_in_dim3A_61 {strides = array<i32>} : memref<1x128xf32, #tpu.memory_space<vmem>>, vector<1x128xf32>,
      %broadcast_in_dim3A_65 = arith.constant 0.000000e+00 : f32
      %broadcast_in_dim3A_66 = vector.broadcast %broadcast_in_dim3A_65 : f32 to vector<1x128xf32>
      %swap3A_67 = arith.constant 0 : index
      %swap3A_68 = arith.constant 0 : index
      %swap3A_69 = vector.load %arg9[%swap3A_67, %swap3A_68] : memref<1x128xf32, #tpu.memory_space<vmem>>, vector<1x128xf32>
      tpu.vector_store %arg9[%swap3A_67, %swap3A_68], %broadcast_in_dim3A_66 {strides = array<i32>} : memref<1x128xf32, #tpu.memory_space<vmem>>, vector<1x128xf32>,
    } else {
    }
    %get3A_41 = arith.constant 0 : index
    %get3A_42 = arith.constant 0 : index
    %get3A_43 = vector.load %arg8[%get3A_41, %get3A_42] : memref<1x128xf32, #tpu.memory_space<vmem>>, vector<1x128xf32>
    %add3A_44 = arith.addf %get3A_43, %broadcast_in_dim3A : vector<1x128xf32>
    %swap3A_45 = arith.constant 0 : index
    %swap3A_46 = arith.constant 0 : index
    %swap3A_47 = vector.load %arg8[%swap3A_45, %swap3A_46] : memref<1x128xf32, #tpu.memory_space<vmem>>, vector<1x128xf32>
    tpu.vector_store %arg8[%swap3A_45, %swap3A_46], %add3A_44 {strides = array<i32>} : memref<1x128xf32, #tpu.memory_space<vmem>>, vector<1x128xf32>,
    %get3A_48 = arith.constant 0 : index
    %get3A_49 = arith.constant 0 : index
    %get3A_50 = vector.load %arg9[%get3A_48, %get3A_49] : memref<1x128xf32, #tpu.memory_space<vmem>>, vector<1x128xf32>
    %add3A_51 = arith.addf %get3A_50, %broadcast_in_dim3A_38 : vector<1x128xf32>
    %swap3A_52 = arith.constant 0 : index
    %swap3A_53 = arith.constant 0 : index
    %swap3A_54 = vector.load %arg9[%swap3A_52, %swap3A_53] : memref<1x128xf32, #tpu.memory_space<vmem>>, vector<1x128xf32>
    tpu.vector_store %arg9[%swap3A_52, %swap3A_53], %add3A_51 {strides = array<i32>} : memref<1x128xf32, #tpu.memory_space<vmem>>, vector<1x128xf32>,
    %eq3A_55 = arith.constant 49 : i32
    %eq3A_56 = arith.cmpi eq, %arg0, %eq3A_55 : i32
    %convert_element_type3A_57 = arith.extui %eq3A_56 : i1 to i32
    %cond3A_58 = arith.constant 0 : i32
    %cond3A_59 = arith.cmpi ne, %convert_element_type3A_57, %cond3A_58 : i32
    scf.if %cond3A_59 {
      %get3A_60 = arith.constant 0 : index
      %get3A_61 = arith.constant 0 : index
      %get3A_62 = vector.load %arg8[%get3A_60, %get3A_61] : memref<1x128xf32, #tpu.memory_space<vmem>>, vector<1x128xf32>
      %swap3A_63 = arith.constant 0 : index
      %swap3A_64 = arith.constant 0 : index
      %swap3A_65 = vector.load %arg7[%swap3A_63, %swap3A_64] : memref<2x128xf32, #tpu.memory_space<vmem>>, vector<1x128xf32>
      tpu.vector_store %arg7[%swap3A_63, %swap3A_64], %get3A_62 {strides = array<i32>} : memref<2x128xf32, #tpu.memory_space<vmem>>, vector<1x128xf32>,
      %get3A_66 = arith.constant 0 : index
      %get3A_67 = arith.constant 0 : index
      %get3A_68 = vector.load %arg9[%get3A_66, %get3A_67] : memref<1x128xf32, #tpu.memory_space<vmem>>, vector<1x128xf32>
      %swap3A_69 = arith.constant 1 : index
      %swap3A_70 = arith.constant 0 : index
      %swap3A_71 = vector.load %arg7[%swap3A_69, %swap3A_70] : memref<2x128xf32, #tpu.memory_space<vmem>>, vector<1x128xf32>
      tpu.vector_store %arg7[%swap3A_69, %swap3A_70], %get3A_68 {strides = array<i32>} : memref<2x128xf32, #tpu.memory_space<vmem>>, vector<1x128xf32>,
    } else {
    }
    return
  }
  func.func @transform_0(%arg0: i32) -> (i32, i32) {
    %c0_i32 = arith.constant 0 : i32
    %c0_i32_0 = arith.constant 0 : i32
    return %arg0, %c0_i32 : i32, i32
  }
  func.func @transform_1(%arg0: i32) -> (i32, i32) {
    %c0_i32 = arith.constant 0 : i32
    %c0_i32_0 = arith.constant 0 : i32
    %c0_i32_1 = arith.constant 0 : i32
    return %c0_i32, %c0_i32_0 : i32, i32
  }
  func.func @transform_2(%arg0: i32) -> (i32, i32) {
    %c0_i32 = arith.constant 0 : i32
    %c0_i32_0 = arith.constant 0 : i32
    %c0_i32_1 = arith.constant 0 : i32
    return %c0_i32, %c0_i32_0 : i32, i32
  }
  func.func @transform_3(%arg0: i32) -> (i32, i32) {
    %c0_i32 = arith.constant 0 : i32
    %c0_i32_0 = arith.constant 0 : i32
    %c0_i32_1 = arith.constant 0 : i32
    return %c0_i32, %c0_i32_0 : i32, i32
  }
  func.func @transform_4(%arg0: i32) -> (i32, i32) {
    %c0_i32 = arith.constant 0 : i32
    %c0_i32_0 = arith.constant 0 : i32
    %c0_i32_1 = arith.constant 0 : i32
    return %c0_i32, %c0_i32_0 : i32, i32
  }
  func.func @transform_5(%arg0: i32) -> (i32, i32) {
    %c0_i32 = arith.constant 0 : i32
    %c0_i32_0 = arith.constant 0 : i32
    return %arg0, %c0_i32 : i32, i32
  }
  func.func @transform_6(%arg0: i32) -> (i32, i32) {
    %c0_i32 = arith.constant 0 : i32
    %c0_i32_0 = arith.constant 0 : i32
    %c0_i32_1 = arith.constant 0 : i32
    return %c0_i32, %c0_i32_0 : i32, i32
  }
}

module attributes {stable_mosaic.version = 14 : i64} {
  func.func @_stage3_body(%arg0: i32, %arg1: memref<3200x128xf32, #tpu.memory_space<vmem>>, %arg2: memref<2x128xf32, #tpu.memory_space<vmem>>, %arg3: memref<1x128xf32, #tpu.memory_space<vmem>>, %arg4: memref<1x128xf32, #tpu.memory_space<vmem>>, %arg5: memref<3200x128xf32, #tpu.memory_space<vmem>>, %arg6: memref<128x256xf32, #tpu.memory_space<vmem>>, %arg7: memref<128x256xf32, #tpu.memory_space<vmem>>, %arg8: memref<128x128xf32, #tpu.memory_space<vmem>>, %arg9: memref<128x3200xf32, #tpu.memory_space<vmem>>, %arg10: memref<200x256xf32, #tpu.memory_space<vmem>>, %arg11: memref<2x256xf32, #tpu.memory_space<vmem>>, %arg12: memref<1x256xf32, #tpu.memory_space<vmem>>, %arg13: memref<1x256xf32, #tpu.memory_space<vmem>>) attributes {dimension_semantics = [#tpu.dimension_semantics<arbitrary>], iteration_bounds = array<i64: 50>, scalar_prefetch = 0 : i64, scratch_operands = 2 : i64, tpu.core_type = #tpu.core_type<tc>, window_params = [{transform_indices = @transform_0, window_bounds = array<i64: 3200, 128>}, {pipeline_mode = #tpu.pipeline_mode<synchronous>, transform_indices = @transform_1, window_bounds = array<i64: 2, 128>}, {pipeline_mode = #tpu.pipeline_mode<synchronous>, transform_indices = @transform_2, window_bounds = array<i64: 1, 128>}, {pipeline_mode = #tpu.pipeline_mode<synchronous>, transform_indices = @transform_3, window_bounds = array<i64: 1, 128>}, {transform_indices = @transform_4, window_bounds = array<i64: 3200, 128>}, {pipeline_mode = #tpu.pipeline_mode<synchronous>, transform_indices = @transform_5, window_bounds = array<i64: 128, 256>}, {pipeline_mode = #tpu.pipeline_mode<synchronous>, transform_indices = @transform_6, window_bounds = array<i64: 128, 256>}, {pipeline_mode = #tpu.pipeline_mode<synchronous>, transform_indices = @transform_7, window_bounds = array<i64: 128, 128>}, {transform_indices = @transform_8, window_bounds = array<i64: 128, 3200>}, {transform_indices = @transform_9, window_bounds = array<i64: 200, 256>}, {pipeline_mode = #tpu.pipeline_mode<synchronous>, transform_indices = @transform_10, window_bounds = array<i64: 2, 256>}]} {
    %get3A = arith.constant 0 : index
    %get3A_0 = arith.constant 0 : index
    %get3A_1 = vector.load %arg2[%get3A, %get3A_0] : memref<2x128xf32, #tpu.memory_space<vmem>>, vector<2x128xf32>
    %get3A_2 = arith.constant 0 : index
    %get3A_3 = arith.constant 0 : index
    %get3A_4 = vector.load %arg3[%get3A_2, %get3A_3] : memref<1x128xf32, #tpu.memory_space<vmem>>, vector<1x128xf32>
    %get3A_5 = arith.constant 0 : index
    %get3A_6 = arith.constant 0 : index
    %get3A_7 = vector.load %arg4[%get3A_5, %get3A_6] : memref<1x128xf32, #tpu.memory_space<vmem>>, vector<1x128xf32>
    %slice3A = vector.extract_strided_slice %get3A_1 {offsets = [0, 0], sizes = [1, 128], strides = [1, 1]} : vector<2x128xf32> to vector<1x128xf32>
    %div3A = arith.constant 1.600000e+05 : f32
    %div3A_8 = vector.broadcast %div3A : f32 to vector<1x128xf32>
    %div3A_9 = arith.divf %slice3A, %div3A_8 : vector<1x128xf32>
    %slice3A_10 = vector.extract_strided_slice %get3A_1 {offsets = [1, 0], sizes = [1, 128], strides = [1, 1]} : vector<2x128xf32> to vector<1x128xf32>
    %div3A_11 = arith.constant 1.600000e+05 : f32
    %div3A_12 = vector.broadcast %div3A_11 : f32 to vector<1x128xf32>
    %div3A_13 = arith.divf %slice3A_10, %div3A_12 : vector<1x128xf32>
    %mul3A = arith.mulf %div3A_9, %div3A_9 : vector<1x128xf32>
    %sub3A = arith.subf %div3A_13, %mul3A : vector<1x128xf32>
    %add3A = arith.constant 9.99999974E-6 : f32
    %add3A_14 = vector.broadcast %add3A : f32 to vector<1x128xf32>
    %add3A_15 = arith.addf %sub3A, %add3A_14 : vector<1x128xf32>
    %rsqrt3A = math.rsqrt %add3A_15 : vector<1x128xf32>
    %mul3A_16 = arith.mulf %get3A_4, %rsqrt3A : vector<1x128xf32>
    %mul3A_17 = arith.mulf %div3A_9, %mul3A_16 : vector<1x128xf32>
    %sub3A_18 = arith.subf %get3A_7, %mul3A_17 : vector<1x128xf32>
    %get3A_19 = arith.constant 0 : index
    %get3A_20 = arith.constant 0 : index
    %get3A_21 = vector.load %arg1[%get3A_19, %get3A_20] : memref<3200x128xf32, #tpu.memory_space<vmem>>, vector<3200x128xf32>
    %mul3A_22 = vector.broadcast %mul3A_16 : vector<1x128xf32> to vector<3200x128xf32>
    %mul3A_23 = arith.mulf %get3A_21, %mul3A_22 : vector<3200x128xf32>
    %add3A_24 = vector.broadcast %sub3A_18 : vector<1x128xf32> to vector<3200x128xf32>
    %add3A_25 = arith.addf %mul3A_23, %add3A_24 : vector<3200x128xf32>
    %max3A = arith.constant 0.000000e+00 : f32
    %max3A_26 = vector.broadcast %max3A : f32 to vector<3200x128xf32>
    %max3A_27 = arith.maximumf %add3A_25, %max3A_26 : vector<3200x128xf32>
    %get3A_28 = arith.constant 0 : index
    %get3A_29 = arith.constant 0 : index
    %get3A_30 = vector.load %arg8[%get3A_28, %get3A_29] : memref<128x128xf32, #tpu.memory_space<vmem>>, vector<128x128xf32>
    %dot_general3A = arith.constant dense<0.000000e+00> : vector<128x3200xf32>
    %dot_general3A_31 = tpu.matmul %get3A_30, %max3A_27, %dot_general3A {dimension_numbers = #tpu.dot_dimension_numbers<[1], [1], [0], [0], [0, 0, 1, 0], [], []>, transpose_lhs_hint = false} : vector<128x128xf32>, vector<3200x128xf32>, vector<128x3200xf32> -> vector<128x3200xf32>
    %swap3A = arith.constant 0 : index
    %swap3A_32 = arith.constant 0 : index
    %swap3A_33 = vector.load %arg9[%swap3A, %swap3A_32] : memref<128x3200xf32, #tpu.memory_space<vmem>>, vector<128x3200xf32>
    tpu.vector_store %arg9[%swap3A, %swap3A_32], %dot_general3A_31 {strides = array<i32>} : memref<128x3200xf32, #tpu.memory_space<vmem>>, vector<128x3200xf32>,
    %reshape3A = vector.shape_cast %max3A_27 : vector<3200x128xf32> to vector<200x16x128xf32>
    %reduce_sum3A = arith.constant dense<0.000000e+00> : vector<200x128xf32>
    %reduce_sum3A_34 = vector.multi_reduction <add>, %reshape3A, %reduce_sum3A [1] : vector<200x16x128xf32> to vector<200x128xf32>
    %get3A_35 = arith.constant 0 : index
    %get3A_36 = arith.constant 0 : index
    %get3A_37 = vector.load %arg7[%get3A_35, %get3A_36] : memref<128x256xf32, #tpu.memory_space<vmem>>, vector<128x256xf32>
    %dot_general3A_38 = arith.constant dense<0.000000e+00> : vector<200x256xf32>
    %dot_general3A_39 = tpu.matmul %reduce_sum3A_34, %get3A_37, %dot_general3A_38 {dimension_numbers = #tpu.dot_dimension_numbers<[1], [0], [0], [1], [0, 0, 1, 1], [], []>, transpose_lhs_hint = false} : vector<200x128xf32>, vector<128x256xf32>, vector<200x256xf32> -> vector<200x256xf32>
    %swap3A_40 = arith.constant 0 : index
    %swap3A_41 = arith.constant 0 : index
    %swap3A_42 = vector.load %arg10[%swap3A_40, %swap3A_41] : memref<200x256xf32, #tpu.memory_space<vmem>>, vector<200x256xf32>
    tpu.vector_store %arg10[%swap3A_40, %swap3A_41], %dot_general3A_39 {strides = array<i32>} : memref<200x256xf32, #tpu.memory_space<vmem>>, vector<200x256xf32>,
    %get3A_43 = arith.constant 0 : index
    %get3A_44 = arith.constant 0 : index
    %get3A_45 = vector.load %arg5[%get3A_43, %get3A_44] : memref<3200x128xf32, #tpu.memory_space<vmem>>, vector<3200x128xf32>
    %get3A_46 = arith.constant 0 : index
    %get3A_47 = arith.constant 0 : index
    %get3A_48 = vector.load %arg6[%get3A_46, %get3A_47] : memref<128x256xf32, #tpu.memory_space<vmem>>, vector<128x256xf32>
    %dot_general3A_49 = arith.constant dense<0.000000e+00> : vector<3200x256xf32>
    %dot_general3A_50 = tpu.matmul %get3A_45, %get3A_48, %dot_general3A_49 {dimension_numbers = #tpu.dot_dimension_numbers<[1], [0], [0], [1], [0, 0, 1, 1], [], []>, transpose_lhs_hint = false} : vector<3200x128xf32>, vector<128x256xf32>, vector<3200x256xf32> -> vector<3200x256xf32>
    %broadcast_in_dim3A = vector.shape_cast %dot_general3A_39 : vector<200x256xf32> to vector<200x1x256xf32>
    %broadcast_in_dim3A_51 = vector.shape_cast %broadcast_in_dim3A : vector<200x1x256xf32> to vector<200x1x256xf32>
    %broadcast_in_dim3A_52 = vector.broadcast %broadcast_in_dim3A_51 : vector<200x1x256xf32> to vector<200x16x256xf32>
    %reshape3A_53 = vector.shape_cast %broadcast_in_dim3A_52 : vector<200x16x256xf32> to vector<3200x256xf32>
    %add3A_54 = arith.addf %dot_general3A_50, %reshape3A_53 : vector<3200x256xf32>
    %reduce_sum3A_55 = arith.constant dense<0.000000e+00> : vector<256xf32>
    %reduce_sum3A_56 = vector.multi_reduction <add>, %add3A_54, %reduce_sum3A_55 [0] : vector<3200x256xf32> to vector<256xf32>
    %broadcast_in_dim3A_57 = vector.shape_cast %reduce_sum3A_56 : vector<256xf32> to vector<1x256xf32>
    %mul3A_58 = arith.mulf %add3A_54, %add3A_54 : vector<3200x256xf32>
    %reduce_sum3A_59 = arith.constant dense<0.000000e+00> : vector<256xf32>
    %reduce_sum3A_60 = vector.multi_reduction <add>, %mul3A_58, %reduce_sum3A_59 [0] : vector<3200x256xf32> to vector<256xf32>
    %broadcast_in_dim3A_61 = vector.shape_cast %reduce_sum3A_60 : vector<256xf32> to vector<1x256xf32>
    %eq3A = arith.constant 0 : i32
    %eq3A_62 = arith.cmpi eq, %arg0, %eq3A : i32
    %convert_element_type3A = arith.extui %eq3A_62 : i1 to i32
    %cond3A = arith.constant 0 : i32
    %cond3A_63 = arith.cmpi ne, %convert_element_type3A, %cond3A : i32
    scf.if %cond3A_63 {
      %broadcast_in_dim3A_83 = arith.constant 0.000000e+00 : f32
      %broadcast_in_dim3A_84 = vector.broadcast %broadcast_in_dim3A_83 : f32 to vector<1x256xf32>
      %swap3A_85 = arith.constant 0 : index
      %swap3A_86 = arith.constant 0 : index
      %swap3A_87 = vector.load %arg12[%swap3A_85, %swap3A_86] : memref<1x256xf32, #tpu.memory_space<vmem>>, vector<1x256xf32>
      tpu.vector_store %arg12[%swap3A_85, %swap3A_86], %broadcast_in_dim3A_84 {strides = array<i32>} : memref<1x256xf32, #tpu.memory_space<vmem>>, vector<1x256xf32>,
      %broadcast_in_dim3A_88 = arith.constant 0.000000e+00 : f32
      %broadcast_in_dim3A_89 = vector.broadcast %broadcast_in_dim3A_88 : f32 to vector<1x256xf32>
      %swap3A_90 = arith.constant 0 : index
      %swap3A_91 = arith.constant 0 : index
      %swap3A_92 = vector.load %arg13[%swap3A_90, %swap3A_91] : memref<1x256xf32, #tpu.memory_space<vmem>>, vector<1x256xf32>
      tpu.vector_store %arg13[%swap3A_90, %swap3A_91], %broadcast_in_dim3A_89 {strides = array<i32>} : memref<1x256xf32, #tpu.memory_space<vmem>>, vector<1x256xf32>,
    } else {
    }
    %get3A_64 = arith.constant 0 : index
    %get3A_65 = arith.constant 0 : index
    %get3A_66 = vector.load %arg12[%get3A_64, %get3A_65] : memref<1x256xf32, #tpu.memory_space<vmem>>, vector<1x256xf32>
    %add3A_67 = arith.addf %get3A_66, %broadcast_in_dim3A_57 : vector<1x256xf32>
    %swap3A_68 = arith.constant 0 : index
    %swap3A_69 = arith.constant 0 : index
    %swap3A_70 = vector.load %arg12[%swap3A_68, %swap3A_69] : memref<1x256xf32, #tpu.memory_space<vmem>>, vector<1x256xf32>
    tpu.vector_store %arg12[%swap3A_68, %swap3A_69], %add3A_67 {strides = array<i32>} : memref<1x256xf32, #tpu.memory_space<vmem>>, vector<1x256xf32>,
    %get3A_71 = arith.constant 0 : index
    %get3A_72 = arith.constant 0 : index
    %get3A_73 = vector.load %arg13[%get3A_71, %get3A_72] : memref<1x256xf32, #tpu.memory_space<vmem>>, vector<1x256xf32>
    %add3A_74 = arith.addf %get3A_73, %broadcast_in_dim3A_61 : vector<1x256xf32>
    %swap3A_75 = arith.constant 0 : index
    %swap3A_76 = arith.constant 0 : index
    %swap3A_77 = vector.load %arg13[%swap3A_75, %swap3A_76] : memref<1x256xf32, #tpu.memory_space<vmem>>, vector<1x256xf32>
    tpu.vector_store %arg13[%swap3A_75, %swap3A_76], %add3A_74 {strides = array<i32>} : memref<1x256xf32, #tpu.memory_space<vmem>>, vector<1x256xf32>,
    %eq3A_78 = arith.constant 49 : i32
    %eq3A_79 = arith.cmpi eq, %arg0, %eq3A_78 : i32
    %convert_element_type3A_80 = arith.extui %eq3A_79 : i1 to i32
    %cond3A_81 = arith.constant 0 : i32
    %cond3A_82 = arith.cmpi ne, %convert_element_type3A_80, %cond3A_81 : i32
    scf.if %cond3A_82 {
      %get3A_83 = arith.constant 0 : index
      %get3A_84 = arith.constant 0 : index
      %get3A_85 = vector.load %arg12[%get3A_83, %get3A_84] : memref<1x256xf32, #tpu.memory_space<vmem>>, vector<1x256xf32>
      %swap3A_86 = arith.constant 0 : index
      %swap3A_87 = arith.constant 0 : index
      %swap3A_88 = vector.load %arg11[%swap3A_86, %swap3A_87] : memref<2x256xf32, #tpu.memory_space<vmem>>, vector<1x256xf32>
      tpu.vector_store %arg11[%swap3A_86, %swap3A_87], %get3A_85 {strides = array<i32>} : memref<2x256xf32, #tpu.memory_space<vmem>>, vector<1x256xf32>,
      %get3A_89 = arith.constant 0 : index
      %get3A_90 = arith.constant 0 : index
      %get3A_91 = vector.load %arg13[%get3A_89, %get3A_90] : memref<1x256xf32, #tpu.memory_space<vmem>>, vector<1x256xf32>
      %swap3A_92 = arith.constant 1 : index
      %swap3A_93 = arith.constant 0 : index
      %swap3A_94 = vector.load %arg11[%swap3A_92, %swap3A_93] : memref<2x256xf32, #tpu.memory_space<vmem>>, vector<1x256xf32>
      tpu.vector_store %arg11[%swap3A_92, %swap3A_93], %get3A_91 {strides = array<i32>} : memref<2x256xf32, #tpu.memory_space<vmem>>, vector<1x256xf32>,
    } else {
    }
    return
  }
  func.func @transform_0(%arg0: i32) -> (i32, i32) {
    %c0_i32 = arith.constant 0 : i32
    %c0_i32_0 = arith.constant 0 : i32
    return %arg0, %c0_i32 : i32, i32
  }
  func.func @transform_1(%arg0: i32) -> (i32, i32) {
    %c0_i32 = arith.constant 0 : i32
    %c0_i32_0 = arith.constant 0 : i32
    %c0_i32_1 = arith.constant 0 : i32
    return %c0_i32, %c0_i32_0 : i32, i32
  }
  func.func @transform_2(%arg0: i32) -> (i32, i32) {
    %c0_i32 = arith.constant 0 : i32
    %c0_i32_0 = arith.constant 0 : i32
    %c0_i32_1 = arith.constant 0 : i32
    return %c0_i32, %c0_i32_0 : i32, i32
  }
  func.func @transform_3(%arg0: i32) -> (i32, i32) {
    %c0_i32 = arith.constant 0 : i32
    %c0_i32_0 = arith.constant 0 : i32
    %c0_i32_1 = arith.constant 0 : i32
    return %c0_i32, %c0_i32_0 : i32, i32
  }
  func.func @transform_4(%arg0: i32) -> (i32, i32) {
    %c0_i32 = arith.constant 0 : i32
    %c0_i32_0 = arith.constant 0 : i32
    return %arg0, %c0_i32 : i32, i32
  }
  func.func @transform_5(%arg0: i32) -> (i32, i32) {
    %c0_i32 = arith.constant 0 : i32
    %c0_i32_0 = arith.constant 0 : i32
    %c0_i32_1 = arith.constant 0 : i32
    return %c0_i32, %c0_i32_0 : i32, i32
  }
  func.func @transform_6(%arg0: i32) -> (i32, i32) {
    %c0_i32 = arith.constant 0 : i32
    %c0_i32_0 = arith.constant 0 : i32
    %c0_i32_1 = arith.constant 0 : i32
    return %c0_i32, %c0_i32_0 : i32, i32
  }
  func.func @transform_7(%arg0: i32) -> (i32, i32) {
    %c0_i32 = arith.constant 0 : i32
    %c0_i32_0 = arith.constant 0 : i32
    %c0_i32_1 = arith.constant 0 : i32
    return %c0_i32, %c0_i32_0 : i32, i32
  }
  func.func @transform_8(%arg0: i32) -> (i32, i32) {
    %c0_i32 = arith.constant 0 : i32
    %c0_i32_0 = arith.constant 0 : i32
    return %c0_i32, %arg0 : i32, i32
  }
  func.func @transform_9(%arg0: i32) -> (i32, i32) {
    %c0_i32 = arith.constant 0 : i32
    %c0_i32_0 = arith.constant 0 : i32
    return %arg0, %c0_i32 : i32, i32
  }
  func.func @transform_10(%arg0: i32) -> (i32, i32) {
    %c0_i32 = arith.constant 0 : i32
    %c0_i32_0 = arith.constant 0 : i32
    %c0_i32_1 = arith.constant 0 : i32
    return %c0_i32, %c0_i32_0 : i32, i32
  }
}

module attributes {stable_mosaic.version = 14 : i64} {
  func.func @_stage4_body(%arg0: i32, %arg1: memref<200x256xf32, #tpu.memory_space<vmem>>, %arg2: memref<2x256xf32, #tpu.memory_space<vmem>>, %arg3: memref<1x256xf32, #tpu.memory_space<vmem>>, %arg4: memref<1x256xf32, #tpu.memory_space<vmem>>, %arg5: memref<3200x128xf32, #tpu.memory_space<vmem>>, %arg6: memref<128x256xf32, #tpu.memory_space<vmem>>, %arg7: memref<256x128xf32, #tpu.memory_space<vmem>>, %arg8: memref<200x128xf32, #tpu.memory_space<vmem>>, %arg9: memref<2x128xf32, #tpu.memory_space<vmem>>, %arg10: memref<1x128xf32, #tpu.memory_space<vmem>>, %arg11: memref<1x128xf32, #tpu.memory_space<vmem>>) attributes {dimension_semantics = [#tpu.dimension_semantics<arbitrary>], iteration_bounds = array<i64: 50>, scalar_prefetch = 0 : i64, scratch_operands = 2 : i64, tpu.core_type = #tpu.core_type<tc>, window_params = [{transform_indices = @transform_0, window_bounds = array<i64: 200, 256>}, {pipeline_mode = #tpu.pipeline_mode<synchronous>, transform_indices = @transform_1, window_bounds = array<i64: 2, 256>}, {pipeline_mode = #tpu.pipeline_mode<synchronous>, transform_indices = @transform_2, window_bounds = array<i64: 1, 256>}, {pipeline_mode = #tpu.pipeline_mode<synchronous>, transform_indices = @transform_3, window_bounds = array<i64: 1, 256>}, {transform_indices = @transform_4, window_bounds = array<i64: 3200, 128>}, {pipeline_mode = #tpu.pipeline_mode<synchronous>, transform_indices = @transform_5, window_bounds = array<i64: 128, 256>}, {pipeline_mode = #tpu.pipeline_mode<synchronous>, transform_indices = @transform_6, window_bounds = array<i64: 256, 128>}, {transform_indices = @transform_7, window_bounds = array<i64: 200, 128>}, {pipeline_mode = #tpu.pipeline_mode<synchronous>, transform_indices = @transform_8, window_bounds = array<i64: 2, 128>}]} {
    %get3A = arith.constant 0 : index
    %get3A_0 = arith.constant 0 : index
    %get3A_1 = vector.load %arg2[%get3A, %get3A_0] : memref<2x256xf32, #tpu.memory_space<vmem>>, vector<2x256xf32>
    %get3A_2 = arith.constant 0 : index
    %get3A_3 = arith.constant 0 : index
    %get3A_4 = vector.load %arg3[%get3A_2, %get3A_3] : memref<1x256xf32, #tpu.memory_space<vmem>>, vector<1x256xf32>
    %get3A_5 = arith.constant 0 : index
    %get3A_6 = arith.constant 0 : index
    %get3A_7 = vector.load %arg4[%get3A_5, %get3A_6] : memref<1x256xf32, #tpu.memory_space<vmem>>, vector<1x256xf32>
    %slice3A = vector.extract_strided_slice %get3A_1 {offsets = [0, 0], sizes = [1, 256], strides = [1, 1]} : vector<2x256xf32> to vector<1x256xf32>
    %div3A = arith.constant 1.600000e+05 : f32
    %div3A_8 = vector.broadcast %div3A : f32 to vector<1x256xf32>
    %div3A_9 = arith.divf %slice3A, %div3A_8 : vector<1x256xf32>
    %slice3A_10 = vector.extract_strided_slice %get3A_1 {offsets = [1, 0], sizes = [1, 256], strides = [1, 1]} : vector<2x256xf32> to vector<1x256xf32>
    %div3A_11 = arith.constant 1.600000e+05 : f32
    %div3A_12 = vector.broadcast %div3A_11 : f32 to vector<1x256xf32>
    %div3A_13 = arith.divf %slice3A_10, %div3A_12 : vector<1x256xf32>
    %mul3A = arith.mulf %div3A_9, %div3A_9 : vector<1x256xf32>
    %sub3A = arith.subf %div3A_13, %mul3A : vector<1x256xf32>
    %add3A = arith.constant 9.99999974E-6 : f32
    %add3A_14 = vector.broadcast %add3A : f32 to vector<1x256xf32>
    %add3A_15 = arith.addf %sub3A, %add3A_14 : vector<1x256xf32>
    %rsqrt3A = math.rsqrt %add3A_15 : vector<1x256xf32>
    %mul3A_16 = arith.mulf %get3A_4, %rsqrt3A : vector<1x256xf32>
    %mul3A_17 = arith.mulf %div3A_9, %mul3A_16 : vector<1x256xf32>
    %sub3A_18 = arith.subf %get3A_7, %mul3A_17 : vector<1x256xf32>
    %get3A_19 = arith.constant 0 : index
    %get3A_20 = arith.constant 0 : index
    %get3A_21 = vector.load %arg1[%get3A_19, %get3A_20] : memref<200x256xf32, #tpu.memory_space<vmem>>, vector<200x256xf32>
    %get3A_22 = arith.constant 0 : index
    %get3A_23 = arith.constant 0 : index
    %get3A_24 = vector.load %arg5[%get3A_22, %get3A_23] : memref<3200x128xf32, #tpu.memory_space<vmem>>, vector<3200x128xf32>
    %get3A_25 = arith.constant 0 : index
    %get3A_26 = arith.constant 0 : index
    %get3A_27 = vector.load %arg6[%get3A_25, %get3A_26] : memref<128x256xf32, #tpu.memory_space<vmem>>, vector<128x256xf32>
    %dot_general3A = arith.constant dense<0.000000e+00> : vector<3200x256xf32>
    %dot_general3A_28 = tpu.matmul %get3A_24, %get3A_27, %dot_general3A {dimension_numbers = #tpu.dot_dimension_numbers<[1], [0], [0], [1], [0, 0, 1, 1], [], []>, transpose_lhs_hint = false} : vector<3200x128xf32>, vector<128x256xf32>, vector<3200x256xf32> -> vector<3200x256xf32>
    %broadcast_in_dim3A = vector.shape_cast %get3A_21 : vector<200x256xf32> to vector<200x1x256xf32>
    %broadcast_in_dim3A_29 = vector.shape_cast %broadcast_in_dim3A : vector<200x1x256xf32> to vector<200x1x256xf32>
    %broadcast_in_dim3A_30 = vector.broadcast %broadcast_in_dim3A_29 : vector<200x1x256xf32> to vector<200x16x256xf32>
    %reshape3A = vector.shape_cast %broadcast_in_dim3A_30 : vector<200x16x256xf32> to vector<3200x256xf32>
    %add3A_31 = arith.addf %dot_general3A_28, %reshape3A : vector<3200x256xf32>
    %mul3A_32 = vector.broadcast %mul3A_16 : vector<1x256xf32> to vector<3200x256xf32>
    %mul3A_33 = arith.mulf %add3A_31, %mul3A_32 : vector<3200x256xf32>
    %add3A_34 = vector.broadcast %sub3A_18 : vector<1x256xf32> to vector<3200x256xf32>
    %add3A_35 = arith.addf %mul3A_33, %add3A_34 : vector<3200x256xf32>
    %max3A = arith.constant 0.000000e+00 : f32
    %max3A_36 = vector.broadcast %max3A : f32 to vector<3200x256xf32>
    %max3A_37 = arith.maximumf %add3A_35, %max3A_36 : vector<3200x256xf32>
    %get3A_38 = arith.constant 0 : index
    %get3A_39 = arith.constant 0 : index
    %get3A_40 = vector.load %arg7[%get3A_38, %get3A_39] : memref<256x128xf32, #tpu.memory_space<vmem>>, vector<256x128xf32>
    %dot_general3A_41 = arith.constant dense<0.000000e+00> : vector<3200x128xf32>
    %dot_general3A_42 = tpu.matmul %max3A_37, %get3A_40, %dot_general3A_41 {dimension_numbers = #tpu.dot_dimension_numbers<[1], [0], [0], [1], [0, 0, 1, 1], [], []>, transpose_lhs_hint = false} : vector<3200x256xf32>, vector<256x128xf32>, vector<3200x128xf32> -> vector<3200x128xf32>
    %reshape3A_43 = vector.shape_cast %dot_general3A_42 : vector<3200x128xf32> to vector<200x16x128xf32>
    %slice3A_44 = vector.extract_strided_slice %reshape3A_43 {offsets = [0, 0, 0], sizes = [200, 1, 128], strides = [1, 1, 1]} : vector<200x16x128xf32> to vector<200x1x128xf32>
    %reshape3A_45 = vector.shape_cast %slice3A_44 : vector<200x1x128xf32> to vector<200x128xf32>
    %swap3A = arith.constant 0 : index
    %swap3A_46 = arith.constant 0 : index
    %swap3A_47 = vector.load %arg8[%swap3A, %swap3A_46] : memref<200x128xf32, #tpu.memory_space<vmem>>, vector<200x128xf32>
    tpu.vector_store %arg8[%swap3A, %swap3A_46], %reshape3A_45 {strides = array<i32>} : memref<200x128xf32, #tpu.memory_space<vmem>>, vector<200x128xf32>,
    %reduce_sum3A = arith.constant dense<0.000000e+00> : vector<128xf32>
    %reduce_sum3A_48 = vector.multi_reduction <add>, %dot_general3A_42, %reduce_sum3A [0] : vector<3200x128xf32> to vector<128xf32>
    %broadcast_in_dim3A_49 = vector.shape_cast %reduce_sum3A_48 : vector<128xf32> to vector<1x128xf32>
    %mul3A_50 = arith.mulf %dot_general3A_42, %dot_general3A_42 : vector<3200x128xf32>
    %reduce_sum3A_51 = arith.constant dense<0.000000e+00> : vector<128xf32>
    %reduce_sum3A_52 = vector.multi_reduction <add>, %mul3A_50, %reduce_sum3A_51 [0] : vector<3200x128xf32> to vector<128xf32>
    %broadcast_in_dim3A_53 = vector.shape_cast %reduce_sum3A_52 : vector<128xf32> to vector<1x128xf32>
    %eq3A = arith.constant 0 : i32
    %eq3A_54 = arith.cmpi eq, %arg0, %eq3A : i32
    %convert_element_type3A = arith.extui %eq3A_54 : i1 to i32
    %cond3A = arith.constant 0 : i32
    %cond3A_55 = arith.cmpi ne, %convert_element_type3A, %cond3A : i32
    scf.if %cond3A_55 {
      %broadcast_in_dim3A_75 = arith.constant 0.000000e+00 : f32
      %broadcast_in_dim3A_76 = vector.broadcast %broadcast_in_dim3A_75 : f32 to vector<1x128xf32>
      %swap3A_77 = arith.constant 0 : index
      %swap3A_78 = arith.constant 0 : index
      %swap3A_79 = vector.load %arg10[%swap3A_77, %swap3A_78] : memref<1x128xf32, #tpu.memory_space<vmem>>, vector<1x128xf32>
      tpu.vector_store %arg10[%swap3A_77, %swap3A_78], %broadcast_in_dim3A_76 {strides = array<i32>} : memref<1x128xf32, #tpu.memory_space<vmem>>, vector<1x128xf32>,
      %broadcast_in_dim3A_80 = arith.constant 0.000000e+00 : f32
      %broadcast_in_dim3A_81 = vector.broadcast %broadcast_in_dim3A_80 : f32 to vector<1x128xf32>
      %swap3A_82 = arith.constant 0 : index
      %swap3A_83 = arith.constant 0 : index
      %swap3A_84 = vector.load %arg11[%swap3A_82, %swap3A_83] : memref<1x128xf32, #tpu.memory_space<vmem>>, vector<1x128xf32>
      tpu.vector_store %arg11[%swap3A_82, %swap3A_83], %broadcast_in_dim3A_81 {strides = array<i32>} : memref<1x128xf32, #tpu.memory_space<vmem>>, vector<1x128xf32>,
    } else {
    }
    %get3A_56 = arith.constant 0 : index
    %get3A_57 = arith.constant 0 : index
    %get3A_58 = vector.load %arg10[%get3A_56, %get3A_57] : memref<1x128xf32, #tpu.memory_space<vmem>>, vector<1x128xf32>
    %add3A_59 = arith.addf %get3A_58, %broadcast_in_dim3A_49 : vector<1x128xf32>
    %swap3A_60 = arith.constant 0 : index
    %swap3A_61 = arith.constant 0 : index
    %swap3A_62 = vector.load %arg10[%swap3A_60, %swap3A_61] : memref<1x128xf32, #tpu.memory_space<vmem>>, vector<1x128xf32>
    tpu.vector_store %arg10[%swap3A_60, %swap3A_61], %add3A_59 {strides = array<i32>} : memref<1x128xf32, #tpu.memory_space<vmem>>, vector<1x128xf32>,
    %get3A_63 = arith.constant 0 : index
    %get3A_64 = arith.constant 0 : index
    %get3A_65 = vector.load %arg11[%get3A_63, %get3A_64] : memref<1x128xf32, #tpu.memory_space<vmem>>, vector<1x128xf32>
    %add3A_66 = arith.addf %get3A_65, %broadcast_in_dim3A_53 : vector<1x128xf32>
    %swap3A_67 = arith.constant 0 : index
    %swap3A_68 = arith.constant 0 : index
    %swap3A_69 = vector.load %arg11[%swap3A_67, %swap3A_68] : memref<1x128xf32, #tpu.memory_space<vmem>>, vector<1x128xf32>
    tpu.vector_store %arg11[%swap3A_67, %swap3A_68], %add3A_66 {strides = array<i32>} : memref<1x128xf32, #tpu.memory_space<vmem>>, vector<1x128xf32>,
    %eq3A_70 = arith.constant 49 : i32
    %eq3A_71 = arith.cmpi eq, %arg0, %eq3A_70 : i32
    %convert_element_type3A_72 = arith.extui %eq3A_71 : i1 to i32
    %cond3A_73 = arith.constant 0 : i32
    %cond3A_74 = arith.cmpi ne, %convert_element_type3A_72, %cond3A_73 : i32
    scf.if %cond3A_74 {
      %get3A_75 = arith.constant 0 : index
      %get3A_76 = arith.constant 0 : index
      %get3A_77 = vector.load %arg10[%get3A_75, %get3A_76] : memref<1x128xf32, #tpu.memory_space<vmem>>, vector<1x128xf32>
      %swap3A_78 = arith.constant 0 : index
      %swap3A_79 = arith.constant 0 : index
      %swap3A_80 = vector.load %arg9[%swap3A_78, %swap3A_79] : memref<2x128xf32, #tpu.memory_space<vmem>>, vector<1x128xf32>
      tpu.vector_store %arg9[%swap3A_78, %swap3A_79], %get3A_77 {strides = array<i32>} : memref<2x128xf32, #tpu.memory_space<vmem>>, vector<1x128xf32>,
      %get3A_81 = arith.constant 0 : index
      %get3A_82 = arith.constant 0 : index
      %get3A_83 = vector.load %arg11[%get3A_81, %get3A_82] : memref<1x128xf32, #tpu.memory_space<vmem>>, vector<1x128xf32>
      %swap3A_84 = arith.constant 1 : index
      %swap3A_85 = arith.constant 0 : index
      %swap3A_86 = vector.load %arg9[%swap3A_84, %swap3A_85] : memref<2x128xf32, #tpu.memory_space<vmem>>, vector<1x128xf32>
      tpu.vector_store %arg9[%swap3A_84, %swap3A_85], %get3A_83 {strides = array<i32>} : memref<2x128xf32, #tpu.memory_space<vmem>>, vector<1x128xf32>,
    } else {
    }
    return
  }
  func.func @transform_0(%arg0: i32) -> (i32, i32) {
    %c0_i32 = arith.constant 0 : i32
    %c0_i32_0 = arith.constant 0 : i32
    return %arg0, %c0_i32 : i32, i32
  }
  func.func @transform_1(%arg0: i32) -> (i32, i32) {
    %c0_i32 = arith.constant 0 : i32
    %c0_i32_0 = arith.constant 0 : i32
    %c0_i32_1 = arith.constant 0 : i32
    return %c0_i32, %c0_i32_0 : i32, i32
  }
  func.func @transform_2(%arg0: i32) -> (i32, i32) {
    %c0_i32 = arith.constant 0 : i32
    %c0_i32_0 = arith.constant 0 : i32
    %c0_i32_1 = arith.constant 0 : i32
    return %c0_i32, %c0_i32_0 : i32, i32
  }
  func.func @transform_3(%arg0: i32) -> (i32, i32) {
    %c0_i32 = arith.constant 0 : i32
    %c0_i32_0 = arith.constant 0 : i32
    %c0_i32_1 = arith.constant 0 : i32
    return %c0_i32, %c0_i32_0 : i32, i32
  }
  func.func @transform_4(%arg0: i32) -> (i32, i32) {
    %c0_i32 = arith.constant 0 : i32
    %c0_i32_0 = arith.constant 0 : i32
    return %arg0, %c0_i32 : i32, i32
  }
  func.func @transform_5(%arg0: i32) -> (i32, i32) {
    %c0_i32 = arith.constant 0 : i32
    %c0_i32_0 = arith.constant 0 : i32
    %c0_i32_1 = arith.constant 0 : i32
    return %c0_i32, %c0_i32_0 : i32, i32
  }
  func.func @transform_6(%arg0: i32) -> (i32, i32) {
    %c0_i32 = arith.constant 0 : i32
    %c0_i32_0 = arith.constant 0 : i32
    %c0_i32_1 = arith.constant 0 : i32
    return %c0_i32, %c0_i32_0 : i32, i32
  }
  func.func @transform_7(%arg0: i32) -> (i32, i32) {
    %c0_i32 = arith.constant 0 : i32
    %c0_i32_0 = arith.constant 0 : i32
    return %arg0, %c0_i32 : i32, i32
  }
  func.func @transform_8(%arg0: i32) -> (i32, i32) {
    %c0_i32 = arith.constant 0 : i32
    %c0_i32_0 = arith.constant 0 : i32
    %c0_i32_1 = arith.constant 0 : i32
    return %c0_i32, %c0_i32_0 : i32, i32
  }
}

module attributes {stable_mosaic.version = 14 : i64} {
  func.func @_stage5_body(%arg0: memref<10000x128xf32, #tpu.memory_space<vmem>>, %arg1: memref<2x128xf32, #tpu.memory_space<vmem>>, %arg2: memref<1x128xf32, #tpu.memory_space<vmem>>, %arg3: memref<1x128xf32, #tpu.memory_space<vmem>>, %arg4: memref<128x128xf32, #tpu.memory_space<vmem>>, %arg5: memref<128x10000xf32, #tpu.memory_space<vmem>>) attributes {dimension_semantics = [], scalar_prefetch = 0 : i64, scratch_operands = 0 : i64, tpu.core_type = #tpu.core_type<tc>} {
    %get3A = arith.constant 0 : index
    %get3A_0 = arith.constant 0 : index
    %get3A_1 = vector.load %arg1[%get3A, %get3A_0] : memref<2x128xf32, #tpu.memory_space<vmem>>, vector<2x128xf32>
    %get3A_2 = arith.constant 0 : index
    %get3A_3 = arith.constant 0 : index
    %get3A_4 = vector.load %arg2[%get3A_2, %get3A_3] : memref<1x128xf32, #tpu.memory_space<vmem>>, vector<1x128xf32>
    %get3A_5 = arith.constant 0 : index
    %get3A_6 = arith.constant 0 : index
    %get3A_7 = vector.load %arg3[%get3A_5, %get3A_6] : memref<1x128xf32, #tpu.memory_space<vmem>>, vector<1x128xf32>
    %slice3A = vector.extract_strided_slice %get3A_1 {offsets = [0, 0], sizes = [1, 128], strides = [1, 1]} : vector<2x128xf32> to vector<1x128xf32>
    %div3A = arith.constant 1.600000e+05 : f32
    %div3A_8 = vector.broadcast %div3A : f32 to vector<1x128xf32>
    %div3A_9 = arith.divf %slice3A, %div3A_8 : vector<1x128xf32>
    %slice3A_10 = vector.extract_strided_slice %get3A_1 {offsets = [1, 0], sizes = [1, 128], strides = [1, 1]} : vector<2x128xf32> to vector<1x128xf32>
    %div3A_11 = arith.constant 1.600000e+05 : f32
    %div3A_12 = vector.broadcast %div3A_11 : f32 to vector<1x128xf32>
    %div3A_13 = arith.divf %slice3A_10, %div3A_12 : vector<1x128xf32>
    %mul3A = arith.mulf %div3A_9, %div3A_9 : vector<1x128xf32>
    %sub3A = arith.subf %div3A_13, %mul3A : vector<1x128xf32>
    %add3A = arith.constant 9.99999974E-6 : f32
    %add3A_14 = vector.broadcast %add3A : f32 to vector<1x128xf32>
    %add3A_15 = arith.addf %sub3A, %add3A_14 : vector<1x128xf32>
    %rsqrt3A = math.rsqrt %add3A_15 : vector<1x128xf32>
    %mul3A_16 = arith.mulf %get3A_4, %rsqrt3A : vector<1x128xf32>
    %mul3A_17 = arith.mulf %div3A_9, %mul3A_16 : vector<1x128xf32>
    %sub3A_18 = arith.subf %get3A_7, %mul3A_17 : vector<1x128xf32>
    %get3A_19 = arith.constant 0 : index
    %get3A_20 = arith.constant 0 : index
    %get3A_21 = vector.load %arg0[%get3A_19, %get3A_20] : memref<10000x128xf32, #tpu.memory_space<vmem>>, vector<10000x128xf32>
    %mul3A_22 = vector.broadcast %mul3A_16 : vector<1x128xf32> to vector<10000x128xf32>
    %mul3A_23 = arith.mulf %get3A_21, %mul3A_22 : vector<10000x128xf32>
    %add3A_24 = vector.broadcast %sub3A_18 : vector<1x128xf32> to vector<10000x128xf32>
    %add3A_25 = arith.addf %mul3A_23, %add3A_24 : vector<10000x128xf32>
    %max3A = arith.constant 0.000000e+00 : f32
    %max3A_26 = vector.broadcast %max3A : f32 to vector<10000x128xf32>
    %max3A_27 = arith.maximumf %add3A_25, %max3A_26 : vector<10000x128xf32>
    %get3A_28 = arith.constant 0 : index
    %get3A_29 = arith.constant 0 : index
    %get3A_30 = vector.load %arg4[%get3A_28, %get3A_29] : memref<128x128xf32, #tpu.memory_space<vmem>>, vector<128x128xf32>
    %dot_general3A = arith.constant dense<0.000000e+00> : vector<128x10000xf32>
    %dot_general3A_31 = tpu.matmul %get3A_30, %max3A_27, %dot_general3A {dimension_numbers = #tpu.dot_dimension_numbers<[1], [1], [0], [0], [0, 0, 1, 0], [], []>, transpose_lhs_hint = false} : vector<128x128xf32>, vector<10000x128xf32>, vector<128x10000xf32> -> vector<128x10000xf32>
    %swap3A = arith.constant 0 : index
    %swap3A_32 = arith.constant 0 : index
    %swap3A_33 = vector.load %arg5[%swap3A, %swap3A_32] : memref<128x10000xf32, #tpu.memory_space<vmem>>, vector<128x10000xf32>
    tpu.vector_store %arg5[%swap3A, %swap3A_32], %dot_general3A_31 {strides = array<i32>} : memref<128x10000xf32, #tpu.memory_space<vmem>>, vector<128x10000xf32>,
    return
  }
}

</mosaic_0001>

<sc_bundles>
// kernel: kernel.8.cloned.1.call-start
scs
__scs_entry_jumppad:
0x0: {  	(pc) =	sbr.rel $0x88, $3  }
0x1: {  	(tag) =	ssettag $0x0;
	lr =	simm.s32 $0x1  }
0x2: {  	[smem:$0x3F92] =	sst lr;
	_ =	strace $0xD0000000  }
0x3: {  	_ = 	snop  }
0x4: {  	_ = 	snop  }
0x5: {  	_ = 	snop  }
0x6: {  	_ = 	snop  }
0x7: {  	_ = 	snop  }
__scs_overlays_trampoline_lowered:
0x8: {  	[smem:$0x3FA1] =	sst s0  }
0x9: {  	[smem:$0x3FA2] =	sst s1  }
0xa: {  	[smem:$0x3FA3] =	sst s2  }
0xb: {  	[smem:$0x3FA4] =	sst s3  }
0xc: {  	[smem:$0x3FA5] =	sst s4  }
0xd: {  	[smem:$0x3FA6] =	sst s5  }
0xe: {  	[smem:$0x3FA7] =	sst s6  }
0xf: {  	[smem:$0x3FA8] =	sst s7  }
0x10: {  	[smem:$0x3FA9] =	sst s8  }
0x11: {  	[smem:$0x3FAA] =	sst s9;
	s0 =	simm.s32 @!p0 $0x0  }
0x12: {  	s1 =	sld [smem:$0x3F90];
	s0 =	simm.s32 @p0 $0x1  }
0x13: {  	[smem:$0x3FAB] =	sst s0;
	s0 =	simm.s32 @!p1 $0x0  }
0x14: {  	s2 =	sld [smem:$0x3F8F];
	s0 =	simm.s32 @p1 $0x1  }
0x15: {  	[smem:$0x3FAC] =	sst s0;
	s0 =	simm.s32 @!p2 $0x0  }
0x16: {  	s3 =	sld [smem:$0x3FDB];
	s0 =	simm.s32 @p2 $0x1  }
0x17: {  	s4 =	simm.s32 $0x1BF5;
	[smem:$0x3FAE] =	sst s0  }
0x18: {  	s0 =	sld [smem:$0x3F91];
	_ =	swait.ge [sflag:s4], $0x0  }
0x19: {  	s7 =	sld [smem:$0x3F92]  }
0x1a: {  	s8 =	sadd.s32 $0xFFFFE003, lr  }
0x1b: {  	s9 =	sadd.s32 $0xFFFFFEF7, lr;
	s5 =	simm.s32 $0xFFFFFFFF;
	p2 =	slt.u32 s8, $0xFFFFF086  }
0x1c: {  	p1 =	slt.u32 s9, $0xF7A;
	s5 =	simm.s32 @!p2 $0x0  }
0x1d: {  	s5 =	simm.s32 @p1 $0x1;
	p0 =	seq.s32 s7, s2  }
0x1e: {  	s7 =	smul.u32 @!p0 $0xF7A, s2;
	p2 =	seq.s32 @!p0 s5, $0x0  }
0x1f: {  	s9 =	smul.u32 $0xF7A, s1;
	s8 =	simm.s32 @!p0 $0x1BF5;
	p2 =	por !p2, p0  }
0x20: {  	[sflag:s8] =	ssyncset.s32 @!p0 $0xFFFFF086;
	s6 =	sadd.s32 @!p0 s3, s7;
	s7 =	simm.s32 @!p0 $0x108  }
0x21: {  	s3 =	sadd.s32 s3, s9;
	s6 =	sadd.s32 @!p0 $0x88, s6;
	s7 =	simm.s32 @p2 $0x1082  }
0x22: {  	[simem:s7], [sflag:s8] =	dma.local @!p0 [hbm:s6], $0xF7A  }
0x23: {  	s9 =	sor.u32 $0xD0000000, s2;
	s6 =	simm.s32 $0x108;
	_ =	swait.ge @!p0 [sflag:s8], $0x0  }
0x24: {  	s3 =	sadd.s32 $0x88, s3;
	s6 =	simm.s32 @!p1 $0x1082;
	[sflag:s4] =	ssyncset.s32 $0xFFFFF086  }
0x25: {  	[simem:s6], [sflag:s4] =	dma.local [hbm:s3], $0xF7A  }
0x26: {  	[smem:$0x3F92] =	sst s1;
	(tag) =	ssettag s2;
	_ =	strace s9  }
0x27: {  	s1 =	sld [smem:$0x3FA2]  }
0x28: {  	s2 =	sld [smem:$0x3FA3]  }
0x29: {  	s4 =	sld [smem:$0x3FA5]  }
0x2a: {  	p0 =	seq.s32 s5, $0x0;
	s5 =	sld [smem:$0x3FA6]  }
0x2b: {  	s6 =	sld [smem:$0x3FA7]  }
0x2c: {  	s7 =	sld [smem:$0x3FA8]  }
0x2d: {  	s3 =	simm.s32 $0x108;
	s8 =	sld [smem:$0x3FA9]  }
0x2e: {  	s3 =	simm.s32 @!p0 $0x1082;
	s9 =	sld [smem:$0x3FAA]  }
0x2f: {  	lr =	sadd.s32 s0, s3;
	s0 =	sld [smem:$0x3FA1]  }
0x30: {  	s3 =	sld [smem:$0x3FA4]  }
0x31: {  	[smem:$0x3FAD] =	sst s10  }
0x32: {  	s10 =	sld [smem:$0x3FAB];
	_ =	sdelay $0x3  }
0x33: {  	p0 =	seq.s32 s10, $0x1;
	s10 =	sld [smem:$0x3FAD];
	_ =	sdelay $0x3  }
0x34: {  	[smem:$0x3FAD] =	sst s10  }
0x35: {  	s10 =	sld [smem:$0x3FAC];
	_ =	sdelay $0x3  }
0x36: {  	p1 =	seq.s32 s10, $0x1;
	s10 =	sld [smem:$0x3FAD];
	_ =	sdelay $0x3  }
0x37: {  	[smem:$0x3FAD] =	sst s10  }
0x38: {  	s10 =	sld [smem:$0x3FAE]  }
0x39: {  	_ = 	snop;
	(pc) =	sbr.ind lr, $3  }
0x3a: {  	_ = 	snop  }
0x3b: {  	_ = 	snop  }
0x3c: {  	p2 =	seq.s32 s10, $0x1;
	s10 =	sld [smem:$0x3FAD]  }
0x3d: {  	_ =	shalt  }
0x3e: {  	_ =	shalt  }
0x3f: {  	_ =	shalt  }
0x40: {  	_ =	shalt  }
0x41: {  	_ =	shalt  }
0x42: {  	_ =	shalt  }
0x43: {  	_ =	shalt  }
0x44: {  	_ =	shalt  }
0x45: {  	_ =	shalt  }
0x46: {  	_ =	shalt  }
0x47: {  	_ =	shalt  }
0x48: {  	_ =	shalt  }
0x49: {  	_ =	shalt  }
0x4a: {  	_ =	shalt  }
0x4b: {  	_ =	shalt  }
0x4c: {  	_ =	shalt  }
0x4d: {  	_ =	shalt  }
0x4e: {  	_ =	shalt  }
0x4f: {  	_ =	shalt  }
0x50: {  	_ =	shalt  }
0x51: {  	_ =	shalt  }
0x52: {  	_ =	shalt  }
0x53: {  	_ =	shalt  }
0x54: {  	_ =	shalt  }
0x55: {  	_ =	shalt  }
0x56: {  	_ =	shalt  }
0x57: {  	_ =	shalt  }
0x58: {  	_ =	shalt  }
0x59: {  	_ =	shalt  }
0x5a: {  	_ =	shalt  }
0x5b: {  	_ =	shalt  }
0x5c: {  	_ =	shalt  }
0x5d: {  	_ =	shalt  }
0x5e: {  	_ =	shalt  }
0x5f: {  	_ =	shalt  }
0x60: {  	_ =	shalt  }
0x61: {  	_ =	shalt  }
0x62: {  	_ =	shalt  }
0x63: {  	_ =	shalt  }
0x64: {  	_ =	shalt  }
0x65: {  	_ =	shalt  }
0x66: {  	_ =	shalt  }
0x67: {  	_ =	shalt  }
0x68: {  	_ =	shalt  }
0x69: {  	_ =	shalt  }
0x6a: {  	_ =	shalt  }
0x6b: {  	_ =	shalt  }
0x6c: {  	_ =	shalt  }
0x6d: {  	_ =	shalt  }
0x6e: {  	_ =	shalt  }
0x6f: {  	_ =	shalt  }
0x70: {  	_ =	shalt  }
0x71: {  	_ =	shalt  }
0x72: {  	_ =	shalt  }
0x73: {  	_ =	shalt  }
0x74: {  	_ =	shalt  }
0x75: {  	_ =	shalt  }
0x76: {  	_ =	shalt  }
0x77: {  	_ =	shalt  }
0x78: {  	_ =	shalt  }
0x79: {  	_ =	shalt  }
0x7a: {  	_ =	shalt  }
0x7b: {  	_ =	shalt  }
0x7c: {  	_ =	shalt  }
0x7d: {  	_ =	shalt  }
0x7e: {  	_ =	shalt  }
0x7f: {  	_ =	shalt  }
0x80: {  	_ =	shalt  }
0x81: {  	_ =	shalt  }
0x82: {  	_ =	shalt  }
0x83: {  	_ =	shalt  }
0x84: {  	_ =	shalt  }
0x85: {  	_ =	shalt  }
0x86: {  	_ =	shalt  }
0x87: {  	_ =	shalt  }
.Lfunc_end0:
.L_simem_size_0:
called_computation_lowered:
.L_overlay_start_0:
0x88: {  	s2 =	sld [smem:$0x3FD9]  }
0x89: {  	s3 =	sld [smem:$0x3FFE];
	_ =	sdelay $0x1  }
0x8a: {  	s1 =	srdreg.scid  }
0x8b: {  	s0 =	sand.u32 $0x1, s1  }
0x8c: {  	s14 =	sshll.u32 s0, $0xA;
	s2 =	sadd.s32 s3, s2  }
0x8d: {  	s2 =	sadd.s32 s2, s14  }
0x8e: {  	[smem:$0x3FB9] =	sst s2  }
0x8f: {  	_ = 	snop  }
0x90: {  	s2 =	sld [smem:$0x3FD0];
	_ =	sdelay $0x2  }
0x91: {  	s4 =	simm.s32 $0xA;
	s5 =	simm.s32 $0x10;
	s15 =	sld [smem:$0x3FC9]  }
0x92: {  	[smem:s5], [sflag:s4] =	dma.local [hbm:s2], $0x1  }
0x93: {  	_ =	swait.eq [sflag:s4], $0x1  }
0x94: {  	[sflag:s4] =	ssyncset.done $0x0  }
0x95: {  	s16 =	sld [smem:$0x10];
	[sflag:s4] =	ssyncadd.s32 $0xFFFFFFFF  }
0x96: {  	s17 =	sld [smem:$0x12];
	(tm) =	ssettm $0x1  }
0x97: {  	s18 =	sld [smem:$0x3FFB];
	_ =	sdelay $0x3  }
0x98: {  	_ =	strace s18  }
0x99: {  	s5 =	sld [smem:$0x3FFC];
	_ =	sdelay $0x3  }
0x9a: {  	_ =	strace s5  }
0x9b: {  	s5 =	sld [smem:$0x3FFD];
	_ =	sdelay $0x3  }
0x9c: {  	_ =	strace s5  }
0x9d: {  	_ =	strace $0x8FFFFFFF  }
0x9e: {  	s19 =	sld [smem:$0x3FDB];
	_ =	sdelay $0x1  }
0x9f: {  	s6 =	simm.s32 $_scs_section_size  }
0xa0: {  	s7 =	simm.s32 $_size__tile_overlayer_lowered;
	s8 =	simm.s32 $_tile_overlayer_lowered  }
0xa1: {  	s22 =	simm.s32 $0x1BFF;
	s21 =	sshll.u32 s8, $0x1;
	s5 =	sadd.s32 s6, s19  }
0xa2: {  	s9 =	simm.s32 $0x0;
	s20 =	sshll.u32 s7, $0x1;
	s7 =	sadd.s32 s21, s5  }
0xa3: {  	[timem:s9], [sflag:s22] =	dma.local [hbm:s7], s20  }
0xa4: {  	_ =	swait.ge [sflag:s22], s20  }
0xa5: {  	s6 =	ssub.s32 $0x0, s20;
	[sflag:s22] =	ssyncset.done $0x0  }
0xa6: {  	[sflag:s22] =	ssyncadd.s32 s6;
	_ =	sdelay $0x1  }
0xa7: {  	s23 =	simm.s32 $0x1B8B  }
0xa8: {  	_ =	swait.ge [sflag:s23], $0x1  }
0xa9: {  	[sflag:s23] =	ssyncset.done $0x0  }
0xaa: {  	s25 =	simm.s32 $0x1B8E;
	s24 =	sld [smem:$0x3FFE];
	[sflag:s23] =	ssyncadd.s32 $0xFFFFFFFF  }
0xab: {  	s26 =	simm.s32 $execute0_lowered;
	[smem:$0x3FD2] =	sst s25  }
0xac: {  	s7 =	sshll.u32 s26, $0x1;
	_ =	strace $0x80000046;
	[dreg:$0x1] =	wrdreg $0xFFFFFFFF  }
0xad: {  	s28 =	simm.s32 $_size_execute0_lowered;
	s5 =	sadd.s32 s5, s7;
	[dreg:$0x0] =	wrdreg $0x0  }
0xae: {  	s7 =	sshll.u32 s28, $0x1;
	[dreg:$0x2] =	wrdreg s5  }
0xaf: {  	[dreg:$0x3] =	wrdreg s7  }
0xb0: {  	[dreg:$0x4] =	wrdreg $0xC0  }
0xb1: {  	_ =	task [dreg:s9], $0x5FFFF  }
0xb2: {  	[dreg:$0x1] =	wrdreg $0xFFFFFFFF  }
0xb3: {  	[dreg:$0x0] =	wrdreg $0x60  }
0xb4: {  	[dreg:$0x2] =	wrdreg s15  }
0xb5: {  	[dreg:$0x3] =	wrdreg s17  }
0xb6: {  	[dreg:$0x4] =	wrdreg s16  }
0xb7: {  	[dreg:$0x5] =	wrdreg s24  }
0xb8: {  	[dreg:$0x6] =	wrdreg $0x9  }
0xb9: {  	_ =	task.clear_ibuf [dreg:s9], $0x7FFFF;
	_ =	strace $0x90000046  }
0xba: {  	s29 =	simm.s32 $0x9;
	_ =	strace $0x80000048  }
0xbb: {  	_ =	swait.ge [sflag:s29], $0x1  }
0xbc: {  	[sflag:s29] =	ssyncadd.s32 $0xFFFFFFFF  }
0xbd: {  	_ =	strace $0x90000048  }
0xbe: {  	_ =	sfence  }
0xbf: {  	s30 =	sld [smem:$0x0];
	_ =	sdelay $0x2  }
0xc0: {  	s31 =	sshll.u32 s1, $0xD;
	s1 =	sshrl.u32 s1, $0x2  }
0xc1: {  	s3 =	sand.u32 $0x4000, s31;
	s1 =	sadd.s32 s1, s30  }
0xc2: {  	s0 =	sor.u32 s3, s0;
	s1 =	sshll.u32 s1, $0x11  }
0xc3: {  	s0 =	sor.u32 s1, s0  }
0xc4: {  	s0 =	sadd.s32 $0x8F2B, s0  }
0xc5: {  	[sflag:s0] =	ssyncadd.remote.s32 $0x1  }
0xc6: {  	_ =	sfence.sel $0xFFFF  }
0xc7: {  	[dreg:$0x0] =	wrdreg $0xFFFFFFFF;
	(pc) =	sbr.abs _section_cstart, $3  }
0xc8: {  	[dreg:$0x1] =	wrdreg $0xFFFFFFFF  }
0xc9: {  	_ =	task.clear_ibuf [dreg:s9], $0x2FFFF;
	_ =	strace $0x9FFFFFFF  }
0xca: {  	(tm) =	ssettm $0x7FFFFFFF  }
0xcb: {  	_ =	shalt  }
tec
execute0_lowered:
.L_overlay_start_1:
0x0: {  	(tag) =	ssettag $0x1  }
0x1: {  	s1 =	rddreg [dreg:$0x0]  }
0x2: {  	s8 =	rddreg [dreg:$0x1]  }
0x3: {  	s7 =	rddreg [dreg:$0x2]  }
0x4: {  	s4 =	rddreg [dreg:$0x3]  }
0x5: {  	s0 =	rddreg [dreg:$0x4]  }
0x6: {  	s2 =	stileid.u32;
	s6 =	srdreg.scid;
	s3 =	simm.s32 $0x0  }
0x7: {  	s13 =	simm.s32 $0x6600;
	s14 =	simm.s32 $0x1;
	s5 =	smul.u32 $0x27100, s2  }
0x8: {  	s15 =	simm.s32 $0x2;
	s6 =	sand.u32 $0x1, s6;
	s9 =	smul.u32 $0x2710, s2  }
0x9: {  	s16 =	simm.s32 $0x0;
	s10 =	ssub.s32 $0x2, s6;
	s11 =	smul.u32 $0x1388, s6  }
0xa: {  	[smem:$0x7FF] =	sst s3;
	s6 =	smul.u32 $0x13880, s6;
	s12 =	sshrl.u32 s10, $0x1  }
0xb: {  	_ =	strace $0x80000047;
	s5 =	sadd.s32 s5, s4;
	s31 =	ssub.s32 s10, s12  }
0xc: {  	s9 =	sadd.s32 s11, s9;
	s6 =	sadd.s32 s6, s5;
	s10 =	simm.s32 $0xC8  }
0xd: {  	s11 =	simm.s32 $0x100;
	s12 =	simm.s32 $0x6500;
	s4 =	smax.u32 s31, $0x1  }
0xe: {  	s9 =	sshrl.u32 s9, $0x3;
	s5 =	sadd.s32 $0x274C00, s6;
	s6 =	sadd.s32 $0x3C00, s6  }
0xf: {  	s7 =	sadd.s32 s9, s7;
	s8 =	sadd.s32 s9, s8;
	s9 =	simm.s32 $0x3  }
.LBB2_1:
0x10: {  	s17 =	sadd.s32 $0x0, s8  }
0x11: {  	[tilespmem:s3], [sflag:$0x3] =	stream.linear.gather [hbm4b:s17+s3], $0xC8, $0x38;
	[tilespmem:$0xCA00] =	vst v63  }
0x12: {  	_ =	swait.ge [sflag:s9], $0xC8  }
0x13: {  	[sflag:s9] =	ssyncset.done $0x0  }
0x14: {  	[sflag:s9] =	ssyncadd.s32 $0xFFFFFF38  }
0x15: {  	[tilespmem:s11], [sflag:$0x1] =	stream.indirect.gather [hbm4b:s1+s10], $0x80, s3, s10, $0xb8;
	[tilespmem:$0xCA00] =	vst v63  }
0x16: {  	s31 =	sadd.s32 $0x0, s7  }
0x17: {  	[tilespmem:s12], [sflag:$0x3] =	stream.linear.gather [hbm4b:s31+s3], $0xC8, $0x38;
	[tilespmem:$0xCA00] =	vst v63  }
0x18: {  	_ =	swait.ge [sflag:s9], $0xC8  }
0x19: {  	[sflag:s9] =	ssyncset.done $0x0  }
0x1a: {  	[sflag:s9] =	ssyncadd.s32 $0xFFFFFF38  }
0x1b: {  	[tilespmem:s13], [sflag:$0x2] =	stream.indirect.gather [hbm4b:s1+s10], $0x80, s12, s10, $0xb8;
	[tilespmem:$0xCA00] =	vst v63  }
0x1c: {  	_ =	swait.ge [sflag:s14], $0x6400  }
0x1d: {  	[sflag:s14] =	ssyncset.done $0x0  }
0x1e: {  	[sflag:s14] =	ssyncadd.s32 $0xFFFF9C00  }
0x1f: {  	[hbm4b:s5+s3] =	stream.linear.scatter [tilespmem:s11], [sflag:$0x3], $0x6400, $0x38;
	[tilespmem:$0xCA00] =	vst v63  }
0x20: {  	_ =	swait.ge [sflag:s9], $0x6400  }
0x21: {  	[sflag:s9] =	ssyncset.done $0x0  }
0x22: {  	[sflag:s9] =	ssyncadd.s32 $0xFFFF9C00  }
0x23: {  	_ =	swait.ge [sflag:s15], $0x6400  }
0x24: {  	[sflag:s15] =	ssyncset.done $0x0  }
0x25: {  	[sflag:s15] =	ssyncadd.s32 $0xFFFF9C00  }
0x26: {  	[hbm4b:s6+s3] =	stream.linear.scatter [tilespmem:s13], [sflag:$0x3], $0x6400, $0x38;
	[tilespmem:$0xCA00] =	vst v63  }
0x27: {  	s19 =	simm.s32 $0x19;
	s20 =	simm.s32 $0x32;
	_ =	swait.ge [sflag:s9], $0x6400  }
0x28: {  	s18 =	sadd.s32 $0xC80, s5;
	s17 =	sadd.s32 $0xC80, s6;
	[sflag:s9] =	ssyncset.done $0x0  }
.LBB2_2:
0x29: {  	s21 =	sadd.s32 s19, s8  }
0x2a: {  	[sflag:s9] =	ssyncadd.s32 $0xFFFF9C00;
	s22 =	smov.u32 s20;
	s23 =	sadd.s32 $0x19, s20  }
0x2b: {  	[tilespmem:s3], [sflag:$0x3] =	stream.linear.gather [hbm4b:s21+s3], $0xC8, $0x38;
	[tilespmem:$0xCA00] =	vst v63  }
0x2c: {  	p0 =	sne.s32 s20, $0x258;
	_ =	swait.ge [sflag:s9], $0xC8  }
0x2d: {  	[sflag:s9] =	ssyncset.done $0x0  }
0x2e: {  	[sflag:s9] =	ssyncadd.s32 $0xFFFFFF38  }
0x2f: {  	[tilespmem:s11], [sflag:$0x1] =	stream.indirect.gather [hbm4b:s1+s10], $0x80, s3, s10, $0xb8;
	[tilespmem:$0xCA00] =	vst v63  }
0x30: {  	s20 =	sadd.s32 s19, s7;
	s19 =	smov.u32 s22  }
0x31: {  	[tilespmem:s12], [sflag:$0x3] =	stream.linear.gather [hbm4b:s20+s3], $0xC8, $0x38;
	[tilespmem:$0xCA00] =	vst v63  }
0x32: {  	_ =	swait.ge [sflag:s9], $0xC8  }
0x33: {  	[sflag:s9] =	ssyncset.done $0x0  }
0x34: {  	[sflag:s9] =	ssyncadd.s32 $0xFFFFFF38  }
0x35: {  	[tilespmem:s13], [sflag:$0x2] =	stream.indirect.gather [hbm4b:s1+s10], $0x80, s12, s10, $0xb8;
	[tilespmem:$0xCA00] =	vst v63  }
0x36: {  	_ =	swait.ge [sflag:s14], $0x6400  }
0x37: {  	[sflag:s14] =	ssyncset.done $0x0  }
0x38: {  	[sflag:s14] =	ssyncadd.s32 $0xFFFF9C00  }
0x39: {  	[hbm4b:s18+s3] =	stream.linear.scatter [tilespmem:s11], [sflag:$0x3], $0x6400, $0x38;
	[tilespmem:$0xCA00] =	vst v63  }
0x3a: {  	_ =	swait.ge [sflag:s9], $0x6400  }
0x3b: {  	[sflag:s9] =	ssyncset.done $0x0  }
0x3c: {  	[sflag:s9] =	ssyncadd.s32 $0xFFFF9C00  }
0x3d: {  	_ =	swait.ge [sflag:s15], $0x6400  }
.Ltmp0:
0x3e: {  	[sflag:s15] =	ssyncset.done $0x0;
	(pc) =	sbr.rel @p0 .LBB2_2-.Ltmp0, $4  }
0x3f: {  	[sflag:s15] =	ssyncadd.s32 $0xFFFF9C00  }
0x40: {  	[hbm4b:s17+s3] =	stream.linear.scatter [tilespmem:s13], [sflag:$0x3], $0x6400, $0x38;
	[tilespmem:$0xCA00] =	vst v63  }
0x41: {  	s20 =	smov.u32 s23;
	_ =	swait.ge [sflag:s9], $0x6400  }
0x42: {  	s18 =	sadd.s32 $0xC80, s18;
	s17 =	sadd.s32 $0xC80, s17;
	[sflag:s9] =	ssyncset.done $0x0  }
0x43: {  	s20 =	sadd.s32 s19, s8;
	[sflag:s9] =	ssyncadd.s32 $0xFFFF9C00  }
0x44: {  	[tilespmem:s3], [sflag:$0x3] =	stream.linear.gather [hbm4b:s20+s3], $0xC8, $0x38;
	[tilespmem:$0xCA00] =	vst v63  }
0x45: {  	_ =	swait.ge [sflag:s9], $0xC8  }
0x46: {  	[sflag:s9] =	ssyncset.done $0x0  }
0x47: {  	[sflag:s9] =	ssyncadd.s32 $0xFFFFFF38  }
0x48: {  	[tilespmem:s11], [sflag:$0x1] =	stream.indirect.gather [hbm4b:s1+s10], $0x80, s3, s10, $0xb8;
	[tilespmem:$0xCA00] =	vst v63  }
0x49: {  	s31 =	sadd.s32 s19, s7  }
0x4a: {  	[tilespmem:s12], [sflag:$0x3] =	stream.linear.gather [hbm4b:s31+s3], $0xC8, $0x38;
	[tilespmem:$0xCA00] =	vst v63  }
0x4b: {  	_ =	swait.ge [sflag:s9], $0xC8  }
0x4c: {  	[sflag:s9] =	ssyncset.done $0x0  }
0x4d: {  	[sflag:s9] =	ssyncadd.s32 $0xFFFFFF38  }
0x4e: {  	[tilespmem:s13], [sflag:$0x2] =	stream.indirect.gather [hbm4b:s1+s10], $0x80, s12, s10, $0xb8;
	[tilespmem:$0xCA00] =	vst v63  }
0x4f: {  	_ =	swait.ge [sflag:s14], $0x6400  }
0x50: {  	[sflag:s14] =	ssyncset.done $0x0  }
0x51: {  	[sflag:s14] =	ssyncadd.s32 $0xFFFF9C00  }
0x52: {  	[hbm4b:s18+s3] =	stream.linear.scatter [tilespmem:s11], [sflag:$0x3], $0x6400, $0x38;
	[tilespmem:$0xCA00] =	vst v63  }
0x53: {  	_ =	swait.ge [sflag:s9], $0x6400  }
0x54: {  	[sflag:s9] =	ssyncset.done $0x0  }
0x55: {  	[sflag:s9] =	ssyncadd.s32 $0xFFFF9C00  }
0x56: {  	s16 =	sadd.s32 $0x1, s16;
	_ =	swait.ge [sflag:s15], $0x6400  }
0x57: {  	p0 =	sne.s32 s16, s4;
	[sflag:s15] =	ssyncset.done $0x0  }
.Ltmp1:
0x58: {  	[sflag:s15] =	ssyncadd.s32 $0xFFFF9C00;
	(pc) =	sbr.rel @p0 .LBB2_1-.Ltmp1, $4  }
0x59: {  	[hbm4b:s17+s3] =	stream.linear.scatter [tilespmem:s13], [sflag:$0x3], $0x6400, $0x38;
	[tilespmem:$0xCA00] =	vst v63  }
0x5a: {  	_ =	swait.ge [sflag:s9], $0x6400  }
0x5b: {  	[sflag:s9] =	ssyncset.done $0x0  }
0x5c: {  	[sflag:s9] =	ssyncadd.s32 $0xFFFF9C00  }
0x5d: {  	_ =	sfence.sel $0x180000  }
0x5e: {  	[bflag:$0x0] =	sbarrier.arrive $0xFFFF  }
0x5f: {  	p0 =	sne.s32 s2, $0x0;
	_ =	strace $0x90000047  }
0x60: {  	s0 =	sadd.s32 @!p0 $0x100000, s0;
	[bflag:$0x2] =	sbarrier.arrive $0xFFFF  }
0x61: {  	[sflag:s0] =	ssyncadd.tile.s32 @!p0 $0x1;
	_ =	shalt  }
.Lfunc_end2:
_tile_overlayer_lowered:
.L_overlay_start_2:
0x62: {  	(tag) =	ssettag $0x2  }
0x63: {  	s0 =	rddreg [dreg:$0x0];
	s2 =	stileid.u32  }
0x64: {  	s1 =	rddreg [dreg:$0x1];
	p0 =	sne.s32 s2, $0x0  }
0x65: {  	s3 =	rddreg [dreg:$0x2];
	[bflag:$0x3] =	sbarrier.arrive $0xFFFF;
	s2 =	simm.s32 @!p0 $0x1C03  }
0x66: {  	[timem:s3], [sflag:s2] =	dma.local @!p0 [hbm:s0], s1  }
0x67: {  	s0 =	simm.s32 @!p0 $0x3  }
0x68: {  	_ =	swait.ge @!p0 [sflag:s0], s1  }
0x69: {  	s1 =	ssub.s32 @!p0 $0x0, s1;
	[sflag:s0] =	ssyncset.done @!p0 $0x0  }
0x6a: {  	[sflag:s0] =	ssyncadd.s32 @!p0 s1  }
0x6b: {  	[bflag:$0x3] =	sbarrier.arrive $0xFFFF  }
0x6c: {  	_ =	shalt  }

</sc_bundles>
